<compile_context>
chip_gen: v7x
topology: tpu7x:2x2x1
jax: 0.10.2.dev20260603
libtpu: 0.0.44.dev20260713+nightly
codegen_flags: <defaults>
</compile_context>

<pallas_src>
import functools

import jax
import jax.numpy as jnp
from jax import lax
from jax.experimental import pallas as pl
from jax.experimental.pallas import tpu as pltpu
from jax.experimental.pallas import tpu_sc as plsc

_B, _L, _D = 4, 4096, 1024
_NC, _NS = 2, 16
_NW = _NC * _NS
_LPW = _L // _NW
_CH = 8
_NCH = _LPW // _CH
_NVR = _D // 16

_mesh = plsc.VectorSubcoreMesh(
    core_axis_name="c", subcore_axis_name="s",
    num_cores=_NC, num_subcores=_NS,
)


@functools.partial(
    pl.kernel,
    out_type=jax.ShapeDtypeStruct((_B, _L, _D), jnp.float32),
    mesh=_mesh,
    compiler_params=pltpu.CompilerParams(use_tc_tiling_on_sc=True),
    scratch_types=[
        [pltpu.VMEM((_CH, _D), jnp.float32) for _ in range(2)],
        [pltpu.VMEM((_CH, _D), jnp.float32) for _ in range(2 * _B)],
        [pltpu.SemaphoreType.DMA for _ in range(2)],
        [pltpu.SemaphoreType.DMA for _ in range(2 * _B)],
        [pltpu.SemaphoreType.DMA for _ in range(2 * _B)],
    ],
)
def _pos_add(feat_hbm, pos_hbm, out_hbm, pos_v, fb_v, pos_sem, in_sem, out_sem):
    wid = lax.axis_index("s") * _NC + lax.axis_index("c")
    base = wid * _LPW

    def row0(c):
        return base + c * _CH

    def issue_in(c, b, k):
        pltpu.async_copy(
            feat_hbm.at[b, pl.ds(row0(c), _CH), :], fb_v[k * _B + b],
            in_sem[k * _B + b])

    pltpu.async_copy(pos_hbm.at[pl.ds(row0(0), _CH), :], pos_v[0], pos_sem[0])
    pltpu.async_copy(pos_hbm.at[pl.ds(row0(1), _CH), :], pos_v[1], pos_sem[1])
    for b in range(_B):
        issue_in(0, b, 0)
    for b in range(_B):
        issue_in(1, b, 1)

    def half(c2, carry):
        for k in range(2):
            c = c2 * 2 + k
            pltpu.make_async_copy(
                pos_hbm.at[pl.ds(row0(0), _CH), :], pos_v[k],
                pos_sem[k]).wait()
            for b in range(_B):
                s = k * _B + b
                pltpu.make_async_copy(
                    feat_hbm.at[b, pl.ds(row0(0), _CH), :], fb_v[s],
                    in_sem[s]).wait()

                gv, pv = fb_v[s], pos_v[k]

                @plsc.parallel_loop(0, _CH * _NVR, 1, unroll=8)
                def _add(i):
                    r = i >> 6
                    t = (i & (_NVR - 1)) * 16
                    plsc.addupdate(gv.at[r, pl.ds(t, 16)],
                                   pv[r, pl.ds(t, 16)])

                pltpu.async_copy(
                    gv, out_hbm.at[b, pl.ds(row0(c), _CH), :], out_sem[s])

                os = (1 - k) * _B + b
                @pl.when(jnp.logical_and(c >= 1, c + 1 < _NCH))
                def _():
                    pltpu.make_async_copy(
                        fb_v[os],
                        out_hbm.at[b, pl.ds(row0(0), _CH), :],
                        out_sem[os]).wait()
                    issue_in(c + 1, b, 1 - k)

            @pl.when(c + 2 < _NCH)
            def _():
                pltpu.async_copy(
                    pos_hbm.at[pl.ds(row0(c + 2), _CH), :], pos_v[k],
                    pos_sem[k])
        return carry

    lax.fori_loop(0, _NCH // 2, half, 0)

    for b in range(_B):
        for c in (_NCH - 2, _NCH - 1):
            pltpu.make_async_copy(
                fb_v[(c % 2) * _B + b],
                out_hbm.at[b, pl.ds(row0(c), _CH), :],
                out_sem[(c % 2) * _B + b]).wait()


def kernel(feat, pos_emb_table):
    return _pos_add(feat, pos_emb_table)

# --- scband reference (transcript-rebuilt; emitter-appended) ---
"""Pipeline reference for scband-positional-encoding1-d-9861244912082 (READ-ONLY COPY).

The authoritative reference and input builder live on the scoring server;
editing this copy changes nothing except your own understanding.
"""

import jax, jax.numpy as jnp
import numpy as np

MAX_LENGTH = 4096
EMBED_DIM = 1024
BATCH = 4
SEQ_LEN = 4096

def setup_inputs(seed: int = 0) -> dict:
    key = jax.random.key(seed)
    k1, k2 = jax.random.split(key)
    feat = jax.random.normal(k1, (BATCH, SEQ_LEN, EMBED_DIM), dtype=jnp.float32)
    # learned parameter: nn.Embedding(max_length, embed_dim) weight table
    pos_emb_table = jax.random.normal(k2, (MAX_LENGTH, EMBED_DIM), dtype=jnp.float32)
    return {"feat": feat, "pos_emb_table": pos_emb_table}

def reference(feat, pos_emb_table):
    # pos_emb = self.pos_emb(torch.arange(self.max_length))  -> embedding gather
    idx = jnp.arange(MAX_LENGTH, dtype=jnp.int32)
    pos_emb = jnp.take(pos_emb_table, idx, axis=0)  # [L_max, D]
    # repeat(pos_emb, 'L D -> B L D', B=feat.shape[0])
    B = feat.shape[0]
    pos_emb_b = jnp.broadcast_to(pos_emb[None, :, :], (B, MAX_LENGTH, EMBED_DIM))
    # feat = feat + pos_emb[:, :feat.shape[1], :]
    L = feat.shape[1]
    return feat + pos_emb_b[:, :L, :]

if __name__ == "__main__":
    import jax
    _d = setup_inputs()
    print(jax.jit(kernel)(*tuple(_d.values())))

</pallas_src>

<mosaic_0001>
#map = affine_map<(d0, d1) -> (0, 0, 0)>
#map1 = affine_map<(d0, d1) -> (0, 0)>
module attributes {stable_mosaic.version = 14 : i64} {
  func.func @_pos_add(%arg0: i32, %arg1: i32, %arg2: memref<4x4096x1024xf32, #tpu.memory_space<hbm>>, %arg3: memref<4096x1024xf32, #tpu.memory_space<hbm>>, %arg4: memref<4x4096x1024xf32, #tpu.memory_space<hbm>>, %arg5: memref<8x1024xf32, #tpu.memory_space<vmem>>, %arg6: memref<8x1024xf32, #tpu.memory_space<vmem>>, %arg7: memref<8x1024xf32, #tpu.memory_space<vmem>>, %arg8: memref<8x1024xf32, #tpu.memory_space<vmem>>, %arg9: memref<8x1024xf32, #tpu.memory_space<vmem>>, %arg10: memref<8x1024xf32, #tpu.memory_space<vmem>>, %arg11: memref<8x1024xf32, #tpu.memory_space<vmem>>, %arg12: memref<8x1024xf32, #tpu.memory_space<vmem>>, %arg13: memref<8x1024xf32, #tpu.memory_space<vmem>>, %arg14: memref<8x1024xf32, #tpu.memory_space<vmem>>, %arg15: memref<!tpu.dma_semaphore, #tpu.memory_space<semaphore_mem>>, %arg16: memref<!tpu.dma_semaphore, #tpu.memory_space<semaphore_mem>>, %arg17: memref<!tpu.dma_semaphore, #tpu.memory_space<semaphore_mem>>, %arg18: memref<!tpu.dma_semaphore, #tpu.memory_space<semaphore_mem>>, %arg19: memref<!tpu.dma_semaphore, #tpu.memory_space<semaphore_mem>>, %arg20: memref<!tpu.dma_semaphore, #tpu.memory_space<semaphore_mem>>, %arg21: memref<!tpu.dma_semaphore, #tpu.memory_space<semaphore_mem>>, %arg22: memref<!tpu.dma_semaphore, #tpu.memory_space<semaphore_mem>>, %arg23: memref<!tpu.dma_semaphore, #tpu.memory_space<semaphore_mem>>, %arg24: memref<!tpu.dma_semaphore, #tpu.memory_space<semaphore_mem>>, %arg25: memref<!tpu.dma_semaphore, #tpu.memory_space<semaphore_mem>>, %arg26: memref<!tpu.dma_semaphore, #tpu.memory_space<semaphore_mem>>, %arg27: memref<!tpu.dma_semaphore, #tpu.memory_space<semaphore_mem>>, %arg28: memref<!tpu.dma_semaphore, #tpu.memory_space<semaphore_mem>>, %arg29: memref<!tpu.dma_semaphore, #tpu.memory_space<semaphore_mem>>, %arg30: memref<!tpu.dma_semaphore, #tpu.memory_space<semaphore_mem>>, %arg31: memref<!tpu.dma_semaphore, #tpu.memory_space<semaphore_mem>>, %arg32: memref<!tpu.dma_semaphore, #tpu.memory_space<semaphore_mem>>) attributes {dimension_semantics = [#tpu.dimension_semantics<core_parallel>, #tpu.dimension_semantics<subcore_parallel>], iteration_bounds = array<i64: 2, 16>, scalar_prefetch = 0 : i64, scratch_operands = 28 : i64, tpu.core_type = #tpu.core_type<sc_vector_subcore>, window_params = [{transform_indices = #map}, {transform_indices = #map1}, {transform_indices = #map}]} {
    %mul3A = arith.constant 2 : i32
    %mul3A_0 = arith.muli %arg1, %mul3A : i32
    %add3A = arith.addi %mul3A_0, %arg0 : i32
    %mul3A_1 = arith.constant 128 : i32
    %mul3A_2 = arith.muli %add3A, %mul3A_1 : i32
    %add3A_3 = arith.constant 0 : i32
    %add3A_4 = arith.addi %mul3A_2, %add3A_3 : i32
    %dma_start3A = arith.constant 0 : i32
    %dma_start3A_5 = tpu.memref_slice %arg3[%add3A_4, %dma_start3A] : memref<4096x1024xf32, #tpu.memory_space<hbm>> -> memref<8x1024xf32, #tpu.memory_space<hbm>>
    %dma_start3A_6 = arith.constant 0 : i32
    %dma_start3A_7 = tpu.memref_slice %arg3[%add3A_4, %dma_start3A_6] : memref<4096x1024xf32, #tpu.memory_space<hbm>> -> memref<8x1024xf32, #tpu.memory_space<hbm>>
    tpu.enqueue_dma source(%dma_start3A_7 : memref<8x1024xf32, #tpu.memory_space<hbm>>) target(%arg5 : memref<8x1024xf32, #tpu.memory_space<vmem>>) target_semaphore(%arg15 : memref<!tpu.dma_semaphore, #tpu.memory_space<semaphore_mem>>)
    %add3A_8 = arith.constant 8 : i32
    %add3A_9 = arith.addi %mul3A_2, %add3A_8 : i32
    %dma_start3A_10 = arith.constant 0 : i32
    %dma_start3A_11 = tpu.memref_slice %arg3[%add3A_9, %dma_start3A_10] : memref<4096x1024xf32, #tpu.memory_space<hbm>> -> memref<8x1024xf32, #tpu.memory_space<hbm>>
    %dma_start3A_12 = arith.constant 0 : i32
    %dma_start3A_13 = tpu.memref_slice %arg3[%add3A_9, %dma_start3A_12] : memref<4096x1024xf32, #tpu.memory_space<hbm>> -> memref<8x1024xf32, #tpu.memory_space<hbm>>
    tpu.enqueue_dma source(%dma_start3A_13 : memref<8x1024xf32, #tpu.memory_space<hbm>>) target(%arg6 : memref<8x1024xf32, #tpu.memory_space<vmem>>) target_semaphore(%arg16 : memref<!tpu.dma_semaphore, #tpu.memory_space<semaphore_mem>>)
    %add3A_14 = arith.constant 0 : i32
    %add3A_15 = arith.addi %mul3A_2, %add3A_14 : i32
    %dma_start3A_16 = arith.constant 0 : i32
    %dma_start3A_17 = arith.constant 0 : i32
    %dma_start3A_18 = tpu.memref_slice %arg2[%dma_start3A_16, %add3A_15, %dma_start3A_17] : memref<4x4096x1024xf32, #tpu.memory_space<hbm>> -> memref<1x8x1024xf32, #tpu.memory_space<hbm>>
    %dma_start3A_19 = tpu.memref_squeeze %dma_start3A_18 : memref<1x8x1024xf32, #tpu.memory_space<hbm>> -> memref<8x1024xf32, #tpu.memory_space<hbm>>
    %dma_start3A_20 = arith.constant 0 : i32
    %dma_start3A_21 = tpu.memref_slice %arg2[%dma_start3A_16, %add3A_15, %dma_start3A_20] : memref<4x4096x1024xf32, #tpu.memory_space<hbm>> -> memref<1x8x1024xf32, #tpu.memory_space<hbm>>
    %dma_start3A_22 = tpu.memref_squeeze %dma_start3A_21 : memref<1x8x1024xf32, #tpu.memory_space<hbm>> -> memref<8x1024xf32, #tpu.memory_space<hbm>>
    tpu.enqueue_dma source(%dma_start3A_22 : memref<8x1024xf32, #tpu.memory_space<hbm>>) target(%arg7 : memref<8x1024xf32, #tpu.memory_space<vmem>>) target_semaphore(%arg17 : memref<!tpu.dma_semaphore, #tpu.memory_space<semaphore_mem>>)
    %add3A_23 = arith.constant 0 : i32
    %add3A_24 = arith.addi %mul3A_2, %add3A_23 : i32
    %dma_start3A_25 = arith.constant 1 : i32
    %dma_start3A_26 = arith.constant 0 : i32
    %dma_start3A_27 = tpu.memref_slice %arg2[%dma_start3A_25, %add3A_24, %dma_start3A_26] : memref<4x4096x1024xf32, #tpu.memory_space<hbm>> -> memref<1x8x1024xf32, #tpu.memory_space<hbm>>
    %dma_start3A_28 = tpu.memref_squeeze %dma_start3A_27 : memref<1x8x1024xf32, #tpu.memory_space<hbm>> -> memref<8x1024xf32, #tpu.memory_space<hbm>>
    %dma_start3A_29 = arith.constant 0 : i32
    %dma_start3A_30 = tpu.memref_slice %arg2[%dma_start3A_25, %add3A_24, %dma_start3A_29] : memref<4x4096x1024xf32, #tpu.memory_space<hbm>> -> memref<1x8x1024xf32, #tpu.memory_space<hbm>>
    %dma_start3A_31 = tpu.memref_squeeze %dma_start3A_30 : memref<1x8x1024xf32, #tpu.memory_space<hbm>> -> memref<8x1024xf32, #tpu.memory_space<hbm>>
    tpu.enqueue_dma source(%dma_start3A_31 : memref<8x1024xf32, #tpu.memory_space<hbm>>) target(%arg8 : memref<8x1024xf32, #tpu.memory_space<vmem>>) target_semaphore(%arg18 : memref<!tpu.dma_semaphore, #tpu.memory_space<semaphore_mem>>)
    %add3A_32 = arith.constant 0 : i32
    %add3A_33 = arith.addi %mul3A_2, %add3A_32 : i32
    %dma_start3A_34 = arith.constant 2 : i32
    %dma_start3A_35 = arith.constant 0 : i32
    %dma_start3A_36 = tpu.memref_slice %arg2[%dma_start3A_34, %add3A_33, %dma_start3A_35] : memref<4x4096x1024xf32, #tpu.memory_space<hbm>> -> memref<1x8x1024xf32, #tpu.memory_space<hbm>>
    %dma_start3A_37 = tpu.memref_squeeze %dma_start3A_36 : memref<1x8x1024xf32, #tpu.memory_space<hbm>> -> memref<8x1024xf32, #tpu.memory_space<hbm>>
    %dma_start3A_38 = arith.constant 0 : i32
    %dma_start3A_39 = tpu.memref_slice %arg2[%dma_start3A_34, %add3A_33, %dma_start3A_38] : memref<4x4096x1024xf32, #tpu.memory_space<hbm>> -> memref<1x8x1024xf32, #tpu.memory_space<hbm>>
    %dma_start3A_40 = tpu.memref_squeeze %dma_start3A_39 : memref<1x8x1024xf32, #tpu.memory_space<hbm>> -> memref<8x1024xf32, #tpu.memory_space<hbm>>
    tpu.enqueue_dma source(%dma_start3A_40 : memref<8x1024xf32, #tpu.memory_space<hbm>>) target(%arg9 : memref<8x1024xf32, #tpu.memory_space<vmem>>) target_semaphore(%arg19 : memref<!tpu.dma_semaphore, #tpu.memory_space<semaphore_mem>>)
    %add3A_41 = arith.constant 0 : i32
    %add3A_42 = arith.addi %mul3A_2, %add3A_41 : i32
    %dma_start3A_43 = arith.constant 3 : i32
    %dma_start3A_44 = arith.constant 0 : i32
    %dma_start3A_45 = tpu.memref_slice %arg2[%dma_start3A_43, %add3A_42, %dma_start3A_44] : memref<4x4096x1024xf32, #tpu.memory_space<hbm>> -> memref<1x8x1024xf32, #tpu.memory_space<hbm>>
    %dma_start3A_46 = tpu.memref_squeeze %dma_start3A_45 : memref<1x8x1024xf32, #tpu.memory_space<hbm>> -> memref<8x1024xf32, #tpu.memory_space<hbm>>
    %dma_start3A_47 = arith.constant 0 : i32
    %dma_start3A_48 = tpu.memref_slice %arg2[%dma_start3A_43, %add3A_42, %dma_start3A_47] : memref<4x4096x1024xf32, #tpu.memory_space<hbm>> -> memref<1x8x1024xf32, #tpu.memory_space<hbm>>
    %dma_start3A_49 = tpu.memref_squeeze %dma_start3A_48 : memref<1x8x1024xf32, #tpu.memory_space<hbm>> -> memref<8x1024xf32, #tpu.memory_space<hbm>>
    tpu.enqueue_dma source(%dma_start3A_49 : memref<8x1024xf32, #tpu.memory_space<hbm>>) target(%arg10 : memref<8x1024xf32, #tpu.memory_space<vmem>>) target_semaphore(%arg20 : memref<!tpu.dma_semaphore, #tpu.memory_space<semaphore_mem>>)
    %add3A_50 = arith.constant 8 : i32
    %add3A_51 = arith.addi %mul3A_2, %add3A_50 : i32
    %dma_start3A_52 = arith.constant 0 : i32
    %dma_start3A_53 = arith.constant 0 : i32
    %dma_start3A_54 = tpu.memref_slice %arg2[%dma_start3A_52, %add3A_51, %dma_start3A_53] : memref<4x4096x1024xf32, #tpu.memory_space<hbm>> -> memref<1x8x1024xf32, #tpu.memory_space<hbm>>
    %dma_start3A_55 = tpu.memref_squeeze %dma_start3A_54 : memref<1x8x1024xf32, #tpu.memory_space<hbm>> -> memref<8x1024xf32, #tpu.memory_space<hbm>>
    %dma_start3A_56 = arith.constant 0 : i32
    %dma_start3A_57 = tpu.memref_slice %arg2[%dma_start3A_52, %add3A_51, %dma_start3A_56] : memref<4x4096x1024xf32, #tpu.memory_space<hbm>> -> memref<1x8x1024xf32, #tpu.memory_space<hbm>>
    %dma_start3A_58 = tpu.memref_squeeze %dma_start3A_57 : memref<1x8x1024xf32, #tpu.memory_space<hbm>> -> memref<8x1024xf32, #tpu.memory_space<hbm>>
    tpu.enqueue_dma source(%dma_start3A_58 : memref<8x1024xf32, #tpu.memory_space<hbm>>) target(%arg11 : memref<8x1024xf32, #tpu.memory_space<vmem>>) target_semaphore(%arg21 : memref<!tpu.dma_semaphore, #tpu.memory_space<semaphore_mem>>)
    %add3A_59 = arith.constant 8 : i32
    %add3A_60 = arith.addi %mul3A_2, %add3A_59 : i32
    %dma_start3A_61 = arith.constant 1 : i32
    %dma_start3A_62 = arith.constant 0 : i32
    %dma_start3A_63 = tpu.memref_slice %arg2[%dma_start3A_61, %add3A_60, %dma_start3A_62] : memref<4x4096x1024xf32, #tpu.memory_space<hbm>> -> memref<1x8x1024xf32, #tpu.memory_space<hbm>>
    %dma_start3A_64 = tpu.memref_squeeze %dma_start3A_63 : memref<1x8x1024xf32, #tpu.memory_space<hbm>> -> memref<8x1024xf32, #tpu.memory_space<hbm>>
    %dma_start3A_65 = arith.constant 0 : i32
    %dma_start3A_66 = tpu.memref_slice %arg2[%dma_start3A_61, %add3A_60, %dma_start3A_65] : memref<4x4096x1024xf32, #tpu.memory_space<hbm>> -> memref<1x8x1024xf32, #tpu.memory_space<hbm>>
    %dma_start3A_67 = tpu.memref_squeeze %dma_start3A_66 : memref<1x8x1024xf32, #tpu.memory_space<hbm>> -> memref<8x1024xf32, #tpu.memory_space<hbm>>
    tpu.enqueue_dma source(%dma_start3A_67 : memref<8x1024xf32, #tpu.memory_space<hbm>>) target(%arg12 : memref<8x1024xf32, #tpu.memory_space<vmem>>) target_semaphore(%arg22 : memref<!tpu.dma_semaphore, #tpu.memory_space<semaphore_mem>>)
    %add3A_68 = arith.constant 8 : i32
    %add3A_69 = arith.addi %mul3A_2, %add3A_68 : i32
    %dma_start3A_70 = arith.constant 2 : i32
    %dma_start3A_71 = arith.constant 0 : i32
    %dma_start3A_72 = tpu.memref_slice %arg2[%dma_start3A_70, %add3A_69, %dma_start3A_71] : memref<4x4096x1024xf32, #tpu.memory_space<hbm>> -> memref<1x8x1024xf32, #tpu.memory_space<hbm>>
    %dma_start3A_73 = tpu.memref_squeeze %dma_start3A_72 : memref<1x8x1024xf32, #tpu.memory_space<hbm>> -> memref<8x1024xf32, #tpu.memory_space<hbm>>
    %dma_start3A_74 = arith.constant 0 : i32
    %dma_start3A_75 = tpu.memref_slice %arg2[%dma_start3A_70, %add3A_69, %dma_start3A_74] : memref<4x4096x1024xf32, #tpu.memory_space<hbm>> -> memref<1x8x1024xf32, #tpu.memory_space<hbm>>
    %dma_start3A_76 = tpu.memref_squeeze %dma_start3A_75 : memref<1x8x1024xf32, #tpu.memory_space<hbm>> -> memref<8x1024xf32, #tpu.memory_space<hbm>>
    tpu.enqueue_dma source(%dma_start3A_76 : memref<8x1024xf32, #tpu.memory_space<hbm>>) target(%arg13 : memref<8x1024xf32, #tpu.memory_space<vmem>>) target_semaphore(%arg23 : memref<!tpu.dma_semaphore, #tpu.memory_space<semaphore_mem>>)
    %add3A_77 = arith.constant 8 : i32
    %add3A_78 = arith.addi %mul3A_2, %add3A_77 : i32
    %dma_start3A_79 = arith.constant 3 : i32
    %dma_start3A_80 = arith.constant 0 : i32
    %dma_start3A_81 = tpu.memref_slice %arg2[%dma_start3A_79, %add3A_78, %dma_start3A_80] : memref<4x4096x1024xf32, #tpu.memory_space<hbm>> -> memref<1x8x1024xf32, #tpu.memory_space<hbm>>
    %dma_start3A_82 = tpu.memref_squeeze %dma_start3A_81 : memref<1x8x1024xf32, #tpu.memory_space<hbm>> -> memref<8x1024xf32, #tpu.memory_space<hbm>>
    %dma_start3A_83 = arith.constant 0 : i32
    %dma_start3A_84 = tpu.memref_slice %arg2[%dma_start3A_79, %add3A_78, %dma_start3A_83] : memref<4x4096x1024xf32, #tpu.memory_space<hbm>> -> memref<1x8x1024xf32, #tpu.memory_space<hbm>>
    %dma_start3A_85 = tpu.memref_squeeze %dma_start3A_84 : memref<1x8x1024xf32, #tpu.memory_space<hbm>> -> memref<8x1024xf32, #tpu.memory_space<hbm>>
    tpu.enqueue_dma source(%dma_start3A_85 : memref<8x1024xf32, #tpu.memory_space<hbm>>) target(%arg14 : memref<8x1024xf32, #tpu.memory_space<vmem>>) target_semaphore(%arg24 : memref<!tpu.dma_semaphore, #tpu.memory_space<semaphore_mem>>)
    %scan3A = arith.constant 0 : i32
    %scan3A_86 = arith.constant 0 : i32
    %scan3A_87 = arith.constant 8 : i32
    %scan3A_88 = arith.addi %scan3A_86, %scan3A_87 : i32
    %scan3A_89 = arith.constant 1 : i32
    scf.for %scan3A_162 = %scan3A_86 to %scan3A_88 step %scan3A_89  : i32 {
      %mul3A_163 = arith.constant 2 : i32
      %mul3A_164 = arith.muli %scan3A_162, %mul3A_163 : i32
      %add3A_165 = arith.constant 0 : i32
      %add3A_166 = arith.addi %mul3A_164, %add3A_165 : i32
      %add3A_167 = arith.constant 0 : i32
      %add3A_168 = arith.addi %mul3A_2, %add3A_167 : i32
      %dma_wait3A_169 = arith.constant 0 : i32
      %dma_wait3A_170 = tpu.memref_slice %arg3[%add3A_168, %dma_wait3A_169] : memref<4096x1024xf32, #tpu.memory_space<hbm>> -> memref<8x1024xf32, #tpu.memory_space<hbm>>
      %dma_wait3A_171 = arith.constant 0 : i32
      %dma_wait3A_172 = tpu.memref_slice %arg3[%add3A_168, %dma_wait3A_171] : memref<4096x1024xf32, #tpu.memory_space<hbm>> -> memref<8x1024xf32, #tpu.memory_space<hbm>>
      tpu.wait_dma2 semaphore(%arg15 : memref<!tpu.dma_semaphore, #tpu.memory_space<semaphore_mem>>) src(%dma_wait3A_172 : memref<8x1024xf32, #tpu.memory_space<hbm>>) dst(%arg5 : memref<8x1024xf32, #tpu.memory_space<vmem>>)
      %add3A_173 = arith.constant 0 : i32
      %add3A_174 = arith.addi %mul3A_2, %add3A_173 : i32
      %dma_wait3A_175 = arith.constant 0 : i32
      %dma_wait3A_176 = arith.constant 0 : i32
      %dma_wait3A_177 = tpu.memref_slice %arg2[%dma_wait3A_175, %add3A_174, %dma_wait3A_176] : memref<4x4096x1024xf32, #tpu.memory_space<hbm>> -> memref<1x8x1024xf32, #tpu.memory_space<hbm>>
      %dma_wait3A_178 = tpu.memref_squeeze %dma_wait3A_177 : memref<1x8x1024xf32, #tpu.memory_space<hbm>> -> memref<8x1024xf32, #tpu.memory_space<hbm>>
      %dma_wait3A_179 = arith.constant 0 : i32
      %dma_wait3A_180 = tpu.memref_slice %arg2[%dma_wait3A_175, %add3A_174, %dma_wait3A_179] : memref<4x4096x1024xf32, #tpu.memory_space<hbm>> -> memref<1x8x1024xf32, #tpu.memory_space<hbm>>
      %dma_wait3A_181 = tpu.memref_squeeze %dma_wait3A_180 : memref<1x8x1024xf32, #tpu.memory_space<hbm>> -> memref<8x1024xf32, #tpu.memory_space<hbm>>
      tpu.wait_dma2 semaphore(%arg17 : memref<!tpu.dma_semaphore, #tpu.memory_space<semaphore_mem>>) src(%dma_wait3A_181 : memref<8x1024xf32, #tpu.memory_space<hbm>>) dst(%arg7 : memref<8x1024xf32, #tpu.memory_space<vmem>>)
      %parallel_loop3A = arith.constant 0 : i32
      %parallel_loop3A_182 = arith.constant 512 : i32
      %parallel_loop3A_183 = arith.constant 1 : i32
      scf.for %parallel_loop3A_447 = %parallel_loop3A to %parallel_loop3A_182 step %parallel_loop3A_183  : i32 {
        %parallel_loop3A_448 = arith.constant 6 : i32
        %parallel_loop3A_449 = arith.shrsi %parallel_loop3A_447, %parallel_loop3A_448 : i32
        %parallel_loop3A_450 = arith.constant 63 : i32
        %parallel_loop3A_451 = arith.andi %parallel_loop3A_447, %parallel_loop3A_450 : i32
        %parallel_loop3A_452 = arith.constant 16 : i32
        %parallel_loop3A_453 = arith.muli %parallel_loop3A_451, %parallel_loop3A_452 : i32
        %parallel_loop3A_454 = arith.index_cast %parallel_loop3A_449 : i32 to index
        %parallel_loop3A_455 = arith.index_cast %parallel_loop3A_453 : i32 to index
        %parallel_loop3A_456 = tpu.vector_load %arg5[%parallel_loop3A_454, %parallel_loop3A_455] {strides = array<i32>} : memref<8x1024xf32, #tpu.memory_space<vmem>>, vector<1x16xf32>,
        %parallel_loop3A_457 = vector.shape_cast %parallel_loop3A_456 : vector<1x16xf32> to vector<16xf32>
        %parallel_loop3A_458 = arith.index_cast %parallel_loop3A_449 : i32 to index
        %parallel_loop3A_459 = arith.index_cast %parallel_loop3A_453 : i32 to index
        %parallel_loop3A_460 = tpu.vector_load %arg7[%parallel_loop3A_458, %parallel_loop3A_459] {strides = array<i32>} : memref<8x1024xf32, #tpu.memory_space<vmem>>, vector<1x16xf32>,
        %parallel_loop3A_461 = vector.shape_cast %parallel_loop3A_460 : vector<1x16xf32> to vector<16xf32>
        %parallel_loop3A_462 = vector.shape_cast %parallel_loop3A_457 : vector<16xf32> to vector<1x16xf32>
        tpu.vector_store %arg7[%parallel_loop3A_458, %parallel_loop3A_459], %parallel_loop3A_462 {add = true, strides = array<i32>} : memref<8x1024xf32, #tpu.memory_space<vmem>>, vector<1x16xf32>,
      } {sc.loop_unroll_factor = 8 : i64, sc.parallel_access}
      %mul3A_184 = arith.constant 8 : i32
      %mul3A_185 = arith.muli %add3A_166, %mul3A_184 : i32
      %add3A_186 = arith.addi %mul3A_2, %mul3A_185 : i32
      %dma_start3A_187 = arith.constant 0 : i32
      %dma_start3A_188 = arith.constant 0 : i32
      %dma_start3A_189 = tpu.memref_slice %arg4[%dma_start3A_187, %add3A_186, %dma_start3A_188] : memref<4x4096x1024xf32, #tpu.memory_space<hbm>> -> memref<1x8x1024xf32, #tpu.memory_space<hbm>>
      %dma_start3A_190 = tpu.memref_squeeze %dma_start3A_189 : memref<1x8x1024xf32, #tpu.memory_space<hbm>> -> memref<8x1024xf32, #tpu.memory_space<hbm>>
      %dma_start3A_191 = arith.constant 0 : i32
      %dma_start3A_192 = tpu.memref_slice %arg4[%dma_start3A_187, %add3A_186, %dma_start3A_191] : memref<4x4096x1024xf32, #tpu.memory_space<hbm>> -> memref<1x8x1024xf32, #tpu.memory_space<hbm>>
      %dma_start3A_193 = tpu.memref_squeeze %dma_start3A_192 : memref<1x8x1024xf32, #tpu.memory_space<hbm>> -> memref<8x1024xf32, #tpu.memory_space<hbm>>
      tpu.enqueue_dma source(%arg7 : memref<8x1024xf32, #tpu.memory_space<vmem>>) target(%dma_start3A_193 : memref<8x1024xf32, #tpu.memory_space<hbm>>) target_semaphore(%arg25 : memref<!tpu.dma_semaphore, #tpu.memory_space<semaphore_mem>>)
      %ge3A = arith.constant 1 : i32
      %ge3A_194 = arith.cmpi sge, %add3A_166, %ge3A : i32
      %add3A_195 = arith.constant 1 : i32
      %add3A_196 = arith.addi %add3A_166, %add3A_195 : i32
      %lt3A = arith.constant 16 : i32
      %lt3A_197 = arith.cmpi slt, %add3A_196, %lt3A : i32
      %and3A = arith.andi %ge3A_194, %lt3A_197 : i1
      %convert_element_type3A = arith.extui %and3A : i1 to i32
      %cond3A = arith.constant 0 : i32
      %cond3A_198 = arith.cmpi ne, %convert_element_type3A, %cond3A : i32
      scf.if %cond3A_198 {
        %add3A_447 = arith.constant 0 : i32
        %add3A_448 = arith.addi %mul3A_2, %add3A_447 : i32
        %dma_wait3A_449 = arith.constant 0 : i32
        %dma_wait3A_450 = arith.constant 0 : i32
        %dma_wait3A_451 = tpu.memref_slice %arg4[%dma_wait3A_449, %add3A_448, %dma_wait3A_450] : memref<4x4096x1024xf32, #tpu.memory_space<hbm>> -> memref<1x8x1024xf32, #tpu.memory_space<hbm>>
        %dma_wait3A_452 = tpu.memref_squeeze %dma_wait3A_451 : memref<1x8x1024xf32, #tpu.memory_space<hbm>> -> memref<8x1024xf32, #tpu.memory_space<hbm>>
        %dma_wait3A_453 = arith.constant 0 : i32
        %dma_wait3A_454 = tpu.memref_slice %arg4[%dma_wait3A_449, %add3A_448, %dma_wait3A_453] : memref<4x4096x1024xf32, #tpu.memory_space<hbm>> -> memref<1x8x1024xf32, #tpu.memory_space<hbm>>
        %dma_wait3A_455 = tpu.memref_squeeze %dma_wait3A_454 : memref<1x8x1024xf32, #tpu.memory_space<hbm>> -> memref<8x1024xf32, #tpu.memory_space<hbm>>
        tpu.wait_dma2 semaphore(%arg29 : memref<!tpu.dma_semaphore, #tpu.memory_space<semaphore_mem>>) src(%arg11 : memref<8x1024xf32, #tpu.memory_space<vmem>>) dst(%dma_wait3A_455 : memref<8x1024xf32, #tpu.memory_space<hbm>>)
        %add3A_456 = arith.constant 1 : i32
        %add3A_457 = arith.addi %add3A_166, %add3A_456 : i32
        %mul3A_458 = arith.constant 8 : i32
        %mul3A_459 = arith.muli %add3A_457, %mul3A_458 : i32
        %add3A_460 = arith.addi %mul3A_2, %mul3A_459 : i32
        %dma_start3A_461 = arith.constant 0 : i32
        %dma_start3A_462 = arith.constant 0 : i32
        %dma_start3A_463 = tpu.memref_slice %arg2[%dma_start3A_461, %add3A_460, %dma_start3A_462] : memref<4x4096x1024xf32, #tpu.memory_space<hbm>> -> memref<1x8x1024xf32, #tpu.memory_space<hbm>>
        %dma_start3A_464 = tpu.memref_squeeze %dma_start3A_463 : memref<1x8x1024xf32, #tpu.memory_space<hbm>> -> memref<8x1024xf32, #tpu.memory_space<hbm>>
        %dma_start3A_465 = arith.constant 0 : i32
        %dma_start3A_466 = tpu.memref_slice %arg2[%dma_start3A_461, %add3A_460, %dma_start3A_465] : memref<4x4096x1024xf32, #tpu.memory_space<hbm>> -> memref<1x8x1024xf32, #tpu.memory_space<hbm>>
        %dma_start3A_467 = tpu.memref_squeeze %dma_start3A_466 : memref<1x8x1024xf32, #tpu.memory_space<hbm>> -> memref<8x1024xf32, #tpu.memory_space<hbm>>
        tpu.enqueue_dma source(%dma_start3A_467 : memref<8x1024xf32, #tpu.memory_space<hbm>>) target(%arg11 : memref<8x1024xf32, #tpu.memory_space<vmem>>) target_semaphore(%arg21 : memref<!tpu.dma_semaphore, #tpu.memory_space<semaphore_mem>>)
      } else {
      }
      %add3A_199 = arith.constant 0 : i32
      %add3A_200 = arith.addi %mul3A_2, %add3A_199 : i32
      %dma_wait3A_201 = arith.constant 1 : i32
      %dma_wait3A_202 = arith.constant 0 : i32
      %dma_wait3A_203 = tpu.memref_slice %arg2[%dma_wait3A_201, %add3A_200, %dma_wait3A_202] : memref<4x4096x1024xf32, #tpu.memory_space<hbm>> -> memref<1x8x1024xf32, #tpu.memory_space<hbm>>
      %dma_wait3A_204 = tpu.memref_squeeze %dma_wait3A_203 : memref<1x8x1024xf32, #tpu.memory_space<hbm>> -> memref<8x1024xf32, #tpu.memory_space<hbm>>
      %dma_wait3A_205 = arith.constant 0 : i32
      %dma_wait3A_206 = tpu.memref_slice %arg2[%dma_wait3A_201, %add3A_200, %dma_wait3A_205] : memref<4x4096x1024xf32, #tpu.memory_space<hbm>> -> memref<1x8x1024xf32, #tpu.memory_space<hbm>>
      %dma_wait3A_207 = tpu.memref_squeeze %dma_wait3A_206 : memref<1x8x1024xf32, #tpu.memory_space<hbm>> -> memref<8x1024xf32, #tpu.memory_space<hbm>>
      tpu.wait_dma2 semaphore(%arg18 : memref<!tpu.dma_semaphore, #tpu.memory_space<semaphore_mem>>) src(%dma_wait3A_207 : memref<8x1024xf32, #tpu.memory_space<hbm>>) dst(%arg8 : memref<8x1024xf32, #tpu.memory_space<vmem>>)
      %parallel_loop3A_208 = arith.constant 0 : i32
      %parallel_loop3A_209 = arith.constant 512 : i32
      %parallel_loop3A_210 = arith.constant 1 : i32
      scf.for %parallel_loop3A_447 = %parallel_loop3A_208 to %parallel_loop3A_209 step %parallel_loop3A_210  : i32 {
        %parallel_loop3A_448 = arith.constant 6 : i32
        %parallel_loop3A_449 = arith.shrsi %parallel_loop3A_447, %parallel_loop3A_448 : i32
        %parallel_loop3A_450 = arith.constant 63 : i32
        %parallel_loop3A_451 = arith.andi %parallel_loop3A_447, %parallel_loop3A_450 : i32
        %parallel_loop3A_452 = arith.constant 16 : i32
        %parallel_loop3A_453 = arith.muli %parallel_loop3A_451, %parallel_loop3A_452 : i32
        %parallel_loop3A_454 = arith.index_cast %parallel_loop3A_449 : i32 to index
        %parallel_loop3A_455 = arith.index_cast %parallel_loop3A_453 : i32 to index
        %parallel_loop3A_456 = tpu.vector_load %arg5[%parallel_loop3A_454, %parallel_loop3A_455] {strides = array<i32>} : memref<8x1024xf32, #tpu.memory_space<vmem>>, vector<1x16xf32>,
        %parallel_loop3A_457 = vector.shape_cast %parallel_loop3A_456 : vector<1x16xf32> to vector<16xf32>
        %parallel_loop3A_458 = arith.index_cast %parallel_loop3A_449 : i32 to index
        %parallel_loop3A_459 = arith.index_cast %parallel_loop3A_453 : i32 to index
        %parallel_loop3A_460 = tpu.vector_load %arg8[%parallel_loop3A_458, %parallel_loop3A_459] {strides = array<i32>} : memref<8x1024xf32, #tpu.memory_space<vmem>>, vector<1x16xf32>,
        %parallel_loop3A_461 = vector.shape_cast %parallel_loop3A_460 : vector<1x16xf32> to vector<16xf32>
        %parallel_loop3A_462 = vector.shape_cast %parallel_loop3A_457 : vector<16xf32> to vector<1x16xf32>
        tpu.vector_store %arg8[%parallel_loop3A_458, %parallel_loop3A_459], %parallel_loop3A_462 {add = true, strides = array<i32>} : memref<8x1024xf32, #tpu.memory_space<vmem>>, vector<1x16xf32>,
      } {sc.loop_unroll_factor = 8 : i64, sc.parallel_access}
      %mul3A_211 = arith.constant 8 : i32
      %mul3A_212 = arith.muli %add3A_166, %mul3A_211 : i32
      %add3A_213 = arith.addi %mul3A_2, %mul3A_212 : i32
      %dma_start3A_214 = arith.constant 1 : i32
      %dma_start3A_215 = arith.constant 0 : i32
      %dma_start3A_216 = tpu.memref_slice %arg4[%dma_start3A_214, %add3A_213, %dma_start3A_215] : memref<4x4096x1024xf32, #tpu.memory_space<hbm>> -> memref<1x8x1024xf32, #tpu.memory_space<hbm>>
      %dma_start3A_217 = tpu.memref_squeeze %dma_start3A_216 : memref<1x8x1024xf32, #tpu.memory_space<hbm>> -> memref<8x1024xf32, #tpu.memory_space<hbm>>
      %dma_start3A_218 = arith.constant 0 : i32
      %dma_start3A_219 = tpu.memref_slice %arg4[%dma_start3A_214, %add3A_213, %dma_start3A_218] : memref<4x4096x1024xf32, #tpu.memory_space<hbm>> -> memref<1x8x1024xf32, #tpu.memory_space<hbm>>
      %dma_start3A_220 = tpu.memref_squeeze %dma_start3A_219 : memref<1x8x1024xf32, #tpu.memory_space<hbm>> -> memref<8x1024xf32, #tpu.memory_space<hbm>>
      tpu.enqueue_dma source(%arg8 : memref<8x1024xf32, #tpu.memory_space<vmem>>) target(%dma_start3A_220 : memref<8x1024xf32, #tpu.memory_space<hbm>>) target_semaphore(%arg26 : memref<!tpu.dma_semaphore, #tpu.memory_space<semaphore_mem>>)
      %ge3A_221 = arith.constant 1 : i32
      %ge3A_222 = arith.cmpi sge, %add3A_166, %ge3A_221 : i32
      %add3A_223 = arith.constant 1 : i32
      %add3A_224 = arith.addi %add3A_166, %add3A_223 : i32
      %lt3A_225 = arith.constant 16 : i32
      %lt3A_226 = arith.cmpi slt, %add3A_224, %lt3A_225 : i32
      %and3A_227 = arith.andi %ge3A_222, %lt3A_226 : i1
      %convert_element_type3A_228 = arith.extui %and3A_227 : i1 to i32
      %cond3A_229 = arith.constant 0 : i32
      %cond3A_230 = arith.cmpi ne, %convert_element_type3A_228, %cond3A_229 : i32
      scf.if %cond3A_230 {
        %add3A_447 = arith.constant 0 : i32
        %add3A_448 = arith.addi %mul3A_2, %add3A_447 : i32
        %dma_wait3A_449 = arith.constant 1 : i32
        %dma_wait3A_450 = arith.constant 0 : i32
        %dma_wait3A_451 = tpu.memref_slice %arg4[%dma_wait3A_449, %add3A_448, %dma_wait3A_450] : memref<4x4096x1024xf32, #tpu.memory_space<hbm>> -> memref<1x8x1024xf32, #tpu.memory_space<hbm>>
        %dma_wait3A_452 = tpu.memref_squeeze %dma_wait3A_451 : memref<1x8x1024xf32, #tpu.memory_space<hbm>> -> memref<8x1024xf32, #tpu.memory_space<hbm>>
        %dma_wait3A_453 = arith.constant 0 : i32
        %dma_wait3A_454 = tpu.memref_slice %arg4[%dma_wait3A_449, %add3A_448, %dma_wait3A_453] : memref<4x4096x1024xf32, #tpu.memory_space<hbm>> -> memref<1x8x1024xf32, #tpu.memory_space<hbm>>
        %dma_wait3A_455 = tpu.memref_squeeze %dma_wait3A_454 : memref<1x8x1024xf32, #tpu.memory_space<hbm>> -> memref<8x1024xf32, #tpu.memory_space<hbm>>
        tpu.wait_dma2 semaphore(%arg30 : memref<!tpu.dma_semaphore, #tpu.memory_space<semaphore_mem>>) src(%arg12 : memref<8x1024xf32, #tpu.memory_space<vmem>>) dst(%dma_wait3A_455 : memref<8x1024xf32, #tpu.memory_space<hbm>>)
        %add3A_456 = arith.constant 1 : i32
        %add3A_457 = arith.addi %add3A_166, %add3A_456 : i32
        %mul3A_458 = arith.constant 8 : i32
        %mul3A_459 = arith.muli %add3A_457, %mul3A_458 : i32
        %add3A_460 = arith.addi %mul3A_2, %mul3A_459 : i32
        %dma_start3A_461 = arith.constant 1 : i32
        %dma_start3A_462 = arith.constant 0 : i32
        %dma_start3A_463 = tpu.memref_slice %arg2[%dma_start3A_461, %add3A_460, %dma_start3A_462] : memref<4x4096x1024xf32, #tpu.memory_space<hbm>> -> memref<1x8x1024xf32, #tpu.memory_space<hbm>>
        %dma_start3A_464 = tpu.memref_squeeze %dma_start3A_463 : memref<1x8x1024xf32, #tpu.memory_space<hbm>> -> memref<8x1024xf32, #tpu.memory_space<hbm>>
        %dma_start3A_465 = arith.constant 0 : i32
        %dma_start3A_466 = tpu.memref_slice %arg2[%dma_start3A_461, %add3A_460, %dma_start3A_465] : memref<4x4096x1024xf32, #tpu.memory_space<hbm>> -> memref<1x8x1024xf32, #tpu.memory_space<hbm>>
        %dma_start3A_467 = tpu.memref_squeeze %dma_start3A_466 : memref<1x8x1024xf32, #tpu.memory_space<hbm>> -> memref<8x1024xf32, #tpu.memory_space<hbm>>
        tpu.enqueue_dma source(%dma_start3A_467 : memref<8x1024xf32, #tpu.memory_space<hbm>>) target(%arg12 : memref<8x1024xf32, #tpu.memory_space<vmem>>) target_semaphore(%arg22 : memref<!tpu.dma_semaphore, #tpu.memory_space<semaphore_mem>>)
      } else {
      }
      %add3A_231 = arith.constant 0 : i32
      %add3A_232 = arith.addi %mul3A_2, %add3A_231 : i32
      %dma_wait3A_233 = arith.constant 2 : i32
      %dma_wait3A_234 = arith.constant 0 : i32
      %dma_wait3A_235 = tpu.memref_slice %arg2[%dma_wait3A_233, %add3A_232, %dma_wait3A_234] : memref<4x4096x1024xf32, #tpu.memory_space<hbm>> -> memref<1x8x1024xf32, #tpu.memory_space<hbm>>
      %dma_wait3A_236 = tpu.memref_squeeze %dma_wait3A_235 : memref<1x8x1024xf32, #tpu.memory_space<hbm>> -> memref<8x1024xf32, #tpu.memory_space<hbm>>
      %dma_wait3A_237 = arith.constant 0 : i32
      %dma_wait3A_238 = tpu.memref_slice %arg2[%dma_wait3A_233, %add3A_232, %dma_wait3A_237] : memref<4x4096x1024xf32, #tpu.memory_space<hbm>> -> memref<1x8x1024xf32, #tpu.memory_space<hbm>>
      %dma_wait3A_239 = tpu.memref_squeeze %dma_wait3A_238 : memref<1x8x1024xf32, #tpu.memory_space<hbm>> -> memref<8x1024xf32, #tpu.memory_space<hbm>>
      tpu.wait_dma2 semaphore(%arg19 : memref<!tpu.dma_semaphore, #tpu.memory_space<semaphore_mem>>) src(%dma_wait3A_239 : memref<8x1024xf32, #tpu.memory_space<hbm>>) dst(%arg9 : memref<8x1024xf32, #tpu.memory_space<vmem>>)
      %parallel_loop3A_240 = arith.constant 0 : i32
      %parallel_loop3A_241 = arith.constant 512 : i32
      %parallel_loop3A_242 = arith.constant 1 : i32
      scf.for %parallel_loop3A_447 = %parallel_loop3A_240 to %parallel_loop3A_241 step %parallel_loop3A_242  : i32 {
        %parallel_loop3A_448 = arith.constant 6 : i32
        %parallel_loop3A_449 = arith.shrsi %parallel_loop3A_447, %parallel_loop3A_448 : i32
        %parallel_loop3A_450 = arith.constant 63 : i32
        %parallel_loop3A_451 = arith.andi %parallel_loop3A_447, %parallel_loop3A_450 : i32
        %parallel_loop3A_452 = arith.constant 16 : i32
        %parallel_loop3A_453 = arith.muli %parallel_loop3A_451, %parallel_loop3A_452 : i32
        %parallel_loop3A_454 = arith.index_cast %parallel_loop3A_449 : i32 to index
        %parallel_loop3A_455 = arith.index_cast %parallel_loop3A_453 : i32 to index
        %parallel_loop3A_456 = tpu.vector_load %arg5[%parallel_loop3A_454, %parallel_loop3A_455] {strides = array<i32>} : memref<8x1024xf32, #tpu.memory_space<vmem>>, vector<1x16xf32>,
        %parallel_loop3A_457 = vector.shape_cast %parallel_loop3A_456 : vector<1x16xf32> to vector<16xf32>
        %parallel_loop3A_458 = arith.index_cast %parallel_loop3A_449 : i32 to index
        %parallel_loop3A_459 = arith.index_cast %parallel_loop3A_453 : i32 to index
        %parallel_loop3A_460 = tpu.vector_load %arg9[%parallel_loop3A_458, %parallel_loop3A_459] {strides = array<i32>} : memref<8x1024xf32, #tpu.memory_space<vmem>>, vector<1x16xf32>,
        %parallel_loop3A_461 = vector.shape_cast %parallel_loop3A_460 : vector<1x16xf32> to vector<16xf32>
        %parallel_loop3A_462 = vector.shape_cast %parallel_loop3A_457 : vector<16xf32> to vector<1x16xf32>
        tpu.vector_store %arg9[%parallel_loop3A_458, %parallel_loop3A_459], %parallel_loop3A_462 {add = true, strides = array<i32>} : memref<8x1024xf32, #tpu.memory_space<vmem>>, vector<1x16xf32>,
      } {sc.loop_unroll_factor = 8 : i64, sc.parallel_access}
      %mul3A_243 = arith.constant 8 : i32
      %mul3A_244 = arith.muli %add3A_166, %mul3A_243 : i32
      %add3A_245 = arith.addi %mul3A_2, %mul3A_244 : i32
      %dma_start3A_246 = arith.constant 2 : i32
      %dma_start3A_247 = arith.constant 0 : i32
      %dma_start3A_248 = tpu.memref_slice %arg4[%dma_start3A_246, %add3A_245, %dma_start3A_247] : memref<4x4096x1024xf32, #tpu.memory_space<hbm>> -> memref<1x8x1024xf32, #tpu.memory_space<hbm>>
      %dma_start3A_249 = tpu.memref_squeeze %dma_start3A_248 : memref<1x8x1024xf32, #tpu.memory_space<hbm>> -> memref<8x1024xf32, #tpu.memory_space<hbm>>
      %dma_start3A_250 = arith.constant 0 : i32
      %dma_start3A_251 = tpu.memref_slice %arg4[%dma_start3A_246, %add3A_245, %dma_start3A_250] : memref<4x4096x1024xf32, #tpu.memory_space<hbm>> -> memref<1x8x1024xf32, #tpu.memory_space<hbm>>
      %dma_start3A_252 = tpu.memref_squeeze %dma_start3A_251 : memref<1x8x1024xf32, #tpu.memory_space<hbm>> -> memref<8x1024xf32, #tpu.memory_space<hbm>>
      tpu.enqueue_dma source(%arg9 : memref<8x1024xf32, #tpu.memory_space<vmem>>) target(%dma_start3A_252 : memref<8x1024xf32, #tpu.memory_space<hbm>>) target_semaphore(%arg27 : memref<!tpu.dma_semaphore, #tpu.memory_space<semaphore_mem>>)
      %ge3A_253 = arith.constant 1 : i32
      %ge3A_254 = arith.cmpi sge, %add3A_166, %ge3A_253 : i32
      %add3A_255 = arith.constant 1 : i32
      %add3A_256 = arith.addi %add3A_166, %add3A_255 : i32
      %lt3A_257 = arith.constant 16 : i32
      %lt3A_258 = arith.cmpi slt, %add3A_256, %lt3A_257 : i32
      %and3A_259 = arith.andi %ge3A_254, %lt3A_258 : i1
      %convert_element_type3A_260 = arith.extui %and3A_259 : i1 to i32
      %cond3A_261 = arith.constant 0 : i32
      %cond3A_262 = arith.cmpi ne, %convert_element_type3A_260, %cond3A_261 : i32
      scf.if %cond3A_262 {
        %add3A_447 = arith.constant 0 : i32
        %add3A_448 = arith.addi %mul3A_2, %add3A_447 : i32
        %dma_wait3A_449 = arith.constant 2 : i32
        %dma_wait3A_450 = arith.constant 0 : i32
        %dma_wait3A_451 = tpu.memref_slice %arg4[%dma_wait3A_449, %add3A_448, %dma_wait3A_450] : memref<4x4096x1024xf32, #tpu.memory_space<hbm>> -> memref<1x8x1024xf32, #tpu.memory_space<hbm>>
        %dma_wait3A_452 = tpu.memref_squeeze %dma_wait3A_451 : memref<1x8x1024xf32, #tpu.memory_space<hbm>> -> memref<8x1024xf32, #tpu.memory_space<hbm>>
        %dma_wait3A_453 = arith.constant 0 : i32
        %dma_wait3A_454 = tpu.memref_slice %arg4[%dma_wait3A_449, %add3A_448, %dma_wait3A_453] : memref<4x4096x1024xf32, #tpu.memory_space<hbm>> -> memref<1x8x1024xf32, #tpu.memory_space<hbm>>
        %dma_wait3A_455 = tpu.memref_squeeze %dma_wait3A_454 : memref<1x8x1024xf32, #tpu.memory_space<hbm>> -> memref<8x1024xf32, #tpu.memory_space<hbm>>
        tpu.wait_dma2 semaphore(%arg31 : memref<!tpu.dma_semaphore, #tpu.memory_space<semaphore_mem>>) src(%arg13 : memref<8x1024xf32, #tpu.memory_space<vmem>>) dst(%dma_wait3A_455 : memref<8x1024xf32, #tpu.memory_space<hbm>>)
        %add3A_456 = arith.constant 1 : i32
        %add3A_457 = arith.addi %add3A_166, %add3A_456 : i32
        %mul3A_458 = arith.constant 8 : i32
        %mul3A_459 = arith.muli %add3A_457, %mul3A_458 : i32
        %add3A_460 = arith.addi %mul3A_2, %mul3A_459 : i32
        %dma_start3A_461 = arith.constant 2 : i32
        %dma_start3A_462 = arith.constant 0 : i32
        %dma_start3A_463 = tpu.memref_slice %arg2[%dma_start3A_461, %add3A_460, %dma_start3A_462] : memref<4x4096x1024xf32, #tpu.memory_space<hbm>> -> memref<1x8x1024xf32, #tpu.memory_space<hbm>>
        %dma_start3A_464 = tpu.memref_squeeze %dma_start3A_463 : memref<1x8x1024xf32, #tpu.memory_space<hbm>> -> memref<8x1024xf32, #tpu.memory_space<hbm>>
        %dma_start3A_465 = arith.constant 0 : i32
        %dma_start3A_466 = tpu.memref_slice %arg2[%dma_start3A_461, %add3A_460, %dma_start3A_465] : memref<4x4096x1024xf32, #tpu.memory_space<hbm>> -> memref<1x8x1024xf32, #tpu.memory_space<hbm>>
        %dma_start3A_467 = tpu.memref_squeeze %dma_start3A_466 : memref<1x8x1024xf32, #tpu.memory_space<hbm>> -> memref<8x1024xf32, #tpu.memory_space<hbm>>
        tpu.enqueue_dma source(%dma_start3A_467 : memref<8x1024xf32, #tpu.memory_space<hbm>>) target(%arg13 : memref<8x1024xf32, #tpu.memory_space<vmem>>) target_semaphore(%arg23 : memref<!tpu.dma_semaphore, #tpu.memory_space<semaphore_mem>>)
      } else {
      }
      %add3A_263 = arith.constant 0 : i32
      %add3A_264 = arith.addi %mul3A_2, %add3A_263 : i32
      %dma_wait3A_265 = arith.constant 3 : i32
      %dma_wait3A_266 = arith.constant 0 : i32
      %dma_wait3A_267 = tpu.memref_slice %arg2[%dma_wait3A_265, %add3A_264, %dma_wait3A_266] : memref<4x4096x1024xf32, #tpu.memory_space<hbm>> -> memref<1x8x1024xf32, #tpu.memory_space<hbm>>
      %dma_wait3A_268 = tpu.memref_squeeze %dma_wait3A_267 : memref<1x8x1024xf32, #tpu.memory_space<hbm>> -> memref<8x1024xf32, #tpu.memory_space<hbm>>
      %dma_wait3A_269 = arith.constant 0 : i32
      %dma_wait3A_270 = tpu.memref_slice %arg2[%dma_wait3A_265, %add3A_264, %dma_wait3A_269] : memref<4x4096x1024xf32, #tpu.memory_space<hbm>> -> memref<1x8x1024xf32, #tpu.memory_space<hbm>>
      %dma_wait3A_271 = tpu.memref_squeeze %dma_wait3A_270 : memref<1x8x1024xf32, #tpu.memory_space<hbm>> -> memref<8x1024xf32, #tpu.memory_space<hbm>>
      tpu.wait_dma2 semaphore(%arg20 : memref<!tpu.dma_semaphore, #tpu.memory_space<semaphore_mem>>) src(%dma_wait3A_271 : memref<8x1024xf32, #tpu.memory_space<hbm>>) dst(%arg10 : memref<8x1024xf32, #tpu.memory_space<vmem>>)
      %parallel_loop3A_272 = arith.constant 0 : i32
      %parallel_loop3A_273 = arith.constant 512 : i32
      %parallel_loop3A_274 = arith.constant 1 : i32
      scf.for %parallel_loop3A_447 = %parallel_loop3A_272 to %parallel_loop3A_273 step %parallel_loop3A_274  : i32 {
        %parallel_loop3A_448 = arith.constant 6 : i32
        %parallel_loop3A_449 = arith.shrsi %parallel_loop3A_447, %parallel_loop3A_448 : i32
        %parallel_loop3A_450 = arith.constant 63 : i32
        %parallel_loop3A_451 = arith.andi %parallel_loop3A_447, %parallel_loop3A_450 : i32
        %parallel_loop3A_452 = arith.constant 16 : i32
        %parallel_loop3A_453 = arith.muli %parallel_loop3A_451, %parallel_loop3A_452 : i32
        %parallel_loop3A_454 = arith.index_cast %parallel_loop3A_449 : i32 to index
        %parallel_loop3A_455 = arith.index_cast %parallel_loop3A_453 : i32 to index
        %parallel_loop3A_456 = tpu.vector_load %arg5[%parallel_loop3A_454, %parallel_loop3A_455] {strides = array<i32>} : memref<8x1024xf32, #tpu.memory_space<vmem>>, vector<1x16xf32>,
        %parallel_loop3A_457 = vector.shape_cast %parallel_loop3A_456 : vector<1x16xf32> to vector<16xf32>
        %parallel_loop3A_458 = arith.index_cast %parallel_loop3A_449 : i32 to index
        %parallel_loop3A_459 = arith.index_cast %parallel_loop3A_453 : i32 to index
        %parallel_loop3A_460 = tpu.vector_load %arg10[%parallel_loop3A_458, %parallel_loop3A_459] {strides = array<i32>} : memref<8x1024xf32, #tpu.memory_space<vmem>>, vector<1x16xf32>,
        %parallel_loop3A_461 = vector.shape_cast %parallel_loop3A_460 : vector<1x16xf32> to vector<16xf32>
        %parallel_loop3A_462 = vector.shape_cast %parallel_loop3A_457 : vector<16xf32> to vector<1x16xf32>
        tpu.vector_store %arg10[%parallel_loop3A_458, %parallel_loop3A_459], %parallel_loop3A_462 {add = true, strides = array<i32>} : memref<8x1024xf32, #tpu.memory_space<vmem>>, vector<1x16xf32>,
      } {sc.loop_unroll_factor = 8 : i64, sc.parallel_access}
      %mul3A_275 = arith.constant 8 : i32
      %mul3A_276 = arith.muli %add3A_166, %mul3A_275 : i32
      %add3A_277 = arith.addi %mul3A_2, %mul3A_276 : i32
      %dma_start3A_278 = arith.constant 3 : i32
      %dma_start3A_279 = arith.constant 0 : i32
      %dma_start3A_280 = tpu.memref_slice %arg4[%dma_start3A_278, %add3A_277, %dma_start3A_279] : memref<4x4096x1024xf32, #tpu.memory_space<hbm>> -> memref<1x8x1024xf32, #tpu.memory_space<hbm>>
      %dma_start3A_281 = tpu.memref_squeeze %dma_start3A_280 : memref<1x8x1024xf32, #tpu.memory_space<hbm>> -> memref<8x1024xf32, #tpu.memory_space<hbm>>
      %dma_start3A_282 = arith.constant 0 : i32
      %dma_start3A_283 = tpu.memref_slice %arg4[%dma_start3A_278, %add3A_277, %dma_start3A_282] : memref<4x4096x1024xf32, #tpu.memory_space<hbm>> -> memref<1x8x1024xf32, #tpu.memory_space<hbm>>
      %dma_start3A_284 = tpu.memref_squeeze %dma_start3A_283 : memref<1x8x1024xf32, #tpu.memory_space<hbm>> -> memref<8x1024xf32, #tpu.memory_space<hbm>>
      tpu.enqueue_dma source(%arg10 : memref<8x1024xf32, #tpu.memory_space<vmem>>) target(%dma_start3A_284 : memref<8x1024xf32, #tpu.memory_space<hbm>>) target_semaphore(%arg28 : memref<!tpu.dma_semaphore, #tpu.memory_space<semaphore_mem>>)
      %ge3A_285 = arith.constant 1 : i32
      %ge3A_286 = arith.cmpi sge, %add3A_166, %ge3A_285 : i32
      %add3A_287 = arith.constant 1 : i32
      %add3A_288 = arith.addi %add3A_166, %add3A_287 : i32
      %lt3A_289 = arith.constant 16 : i32
      %lt3A_290 = arith.cmpi slt, %add3A_288, %lt3A_289 : i32
      %and3A_291 = arith.andi %ge3A_286, %lt3A_290 : i1
      %convert_element_type3A_292 = arith.extui %and3A_291 : i1 to i32
      %cond3A_293 = arith.constant 0 : i32
      %cond3A_294 = arith.cmpi ne, %convert_element_type3A_292, %cond3A_293 : i32
      scf.if %cond3A_294 {
        %add3A_447 = arith.constant 0 : i32
        %add3A_448 = arith.addi %mul3A_2, %add3A_447 : i32
        %dma_wait3A_449 = arith.constant 3 : i32
        %dma_wait3A_450 = arith.constant 0 : i32
        %dma_wait3A_451 = tpu.memref_slice %arg4[%dma_wait3A_449, %add3A_448, %dma_wait3A_450] : memref<4x4096x1024xf32, #tpu.memory_space<hbm>> -> memref<1x8x1024xf32, #tpu.memory_space<hbm>>
        %dma_wait3A_452 = tpu.memref_squeeze %dma_wait3A_451 : memref<1x8x1024xf32, #tpu.memory_space<hbm>> -> memref<8x1024xf32, #tpu.memory_space<hbm>>
        %dma_wait3A_453 = arith.constant 0 : i32
        %dma_wait3A_454 = tpu.memref_slice %arg4[%dma_wait3A_449, %add3A_448, %dma_wait3A_453] : memref<4x4096x1024xf32, #tpu.memory_space<hbm>> -> memref<1x8x1024xf32, #tpu.memory_space<hbm>>
        %dma_wait3A_455 = tpu.memref_squeeze %dma_wait3A_454 : memref<1x8x1024xf32, #tpu.memory_space<hbm>> -> memref<8x1024xf32, #tpu.memory_space<hbm>>
        tpu.wait_dma2 semaphore(%arg32 : memref<!tpu.dma_semaphore, #tpu.memory_space<semaphore_mem>>) src(%arg14 : memref<8x1024xf32, #tpu.memory_space<vmem>>) dst(%dma_wait3A_455 : memref<8x1024xf32, #tpu.memory_space<hbm>>)
        %add3A_456 = arith.constant 1 : i32
        %add3A_457 = arith.addi %add3A_166, %add3A_456 : i32
        %mul3A_458 = arith.constant 8 : i32
        %mul3A_459 = arith.muli %add3A_457, %mul3A_458 : i32
        %add3A_460 = arith.addi %mul3A_2, %mul3A_459 : i32
        %dma_start3A_461 = arith.constant 3 : i32
        %dma_start3A_462 = arith.constant 0 : i32
        %dma_start3A_463 = tpu.memref_slice %arg2[%dma_start3A_461, %add3A_460, %dma_start3A_462] : memref<4x4096x1024xf32, #tpu.memory_space<hbm>> -> memref<1x8x1024xf32, #tpu.memory_space<hbm>>
        %dma_start3A_464 = tpu.memref_squeeze %dma_start3A_463 : memref<1x8x1024xf32, #tpu.memory_space<hbm>> -> memref<8x1024xf32, #tpu.memory_space<hbm>>
        %dma_start3A_465 = arith.constant 0 : i32
        %dma_start3A_466 = tpu.memref_slice %arg2[%dma_start3A_461, %add3A_460, %dma_start3A_465] : memref<4x4096x1024xf32, #tpu.memory_space<hbm>> -> memref<1x8x1024xf32, #tpu.memory_space<hbm>>
        %dma_start3A_467 = tpu.memref_squeeze %dma_start3A_466 : memref<1x8x1024xf32, #tpu.memory_space<hbm>> -> memref<8x1024xf32, #tpu.memory_space<hbm>>
        tpu.enqueue_dma source(%dma_start3A_467 : memref<8x1024xf32, #tpu.memory_space<hbm>>) target(%arg14 : memref<8x1024xf32, #tpu.memory_space<vmem>>) target_semaphore(%arg24 : memref<!tpu.dma_semaphore, #tpu.memory_space<semaphore_mem>>)
      } else {
      }
      %add3A_295 = arith.constant 2 : i32
      %add3A_296 = arith.addi %add3A_166, %add3A_295 : i32
      %lt3A_297 = arith.constant 16 : i32
      %lt3A_298 = arith.cmpi slt, %add3A_296, %lt3A_297 : i32
      %convert_element_type3A_299 = arith.extui %lt3A_298 : i1 to i32
      %cond3A_300 = arith.constant 0 : i32
      %cond3A_301 = arith.cmpi ne, %convert_element_type3A_299, %cond3A_300 : i32
      scf.if %cond3A_301 {
        %add3A_447 = arith.constant 2 : i32
        %add3A_448 = arith.addi %add3A_166, %add3A_447 : i32
        %mul3A_449 = arith.constant 8 : i32
        %mul3A_450 = arith.muli %add3A_448, %mul3A_449 : i32
        %add3A_451 = arith.addi %mul3A_2, %mul3A_450 : i32
        %dma_start3A_452 = arith.constant 0 : i32
        %dma_start3A_453 = tpu.memref_slice %arg3[%add3A_451, %dma_start3A_452] : memref<4096x1024xf32, #tpu.memory_space<hbm>> -> memref<8x1024xf32, #tpu.memory_space<hbm>>
        %dma_start3A_454 = arith.constant 0 : i32
        %dma_start3A_455 = tpu.memref_slice %arg3[%add3A_451, %dma_start3A_454] : memref<4096x1024xf32, #tpu.memory_space<hbm>> -> memref<8x1024xf32, #tpu.memory_space<hbm>>
        tpu.enqueue_dma source(%dma_start3A_455 : memref<8x1024xf32, #tpu.memory_space<hbm>>) target(%arg5 : memref<8x1024xf32, #tpu.memory_space<vmem>>) target_semaphore(%arg15 : memref<!tpu.dma_semaphore, #tpu.memory_space<semaphore_mem>>)
      } else {
      }
      %mul3A_302 = arith.constant 2 : i32
      %mul3A_303 = arith.muli %scan3A_162, %mul3A_302 : i32
      %add3A_304 = arith.constant 1 : i32
      %add3A_305 = arith.addi %mul3A_303, %add3A_304 : i32
      %add3A_306 = arith.constant 0 : i32
      %add3A_307 = arith.addi %mul3A_2, %add3A_306 : i32
      %dma_wait3A_308 = arith.constant 0 : i32
      %dma_wait3A_309 = tpu.memref_slice %arg3[%add3A_307, %dma_wait3A_308] : memref<4096x1024xf32, #tpu.memory_space<hbm>> -> memref<8x1024xf32, #tpu.memory_space<hbm>>
      %dma_wait3A_310 = arith.constant 0 : i32
      %dma_wait3A_311 = tpu.memref_slice %arg3[%add3A_307, %dma_wait3A_310] : memref<4096x1024xf32, #tpu.memory_space<hbm>> -> memref<8x1024xf32, #tpu.memory_space<hbm>>
      tpu.wait_dma2 semaphore(%arg16 : memref<!tpu.dma_semaphore, #tpu.memory_space<semaphore_mem>>) src(%dma_wait3A_311 : memref<8x1024xf32, #tpu.memory_space<hbm>>) dst(%arg6 : memref<8x1024xf32, #tpu.memory_space<vmem>>)
      %add3A_312 = arith.constant 0 : i32
      %add3A_313 = arith.addi %mul3A_2, %add3A_312 : i32
      %dma_wait3A_314 = arith.constant 0 : i32
      %dma_wait3A_315 = arith.constant 0 : i32
      %dma_wait3A_316 = tpu.memref_slice %arg2[%dma_wait3A_314, %add3A_313, %dma_wait3A_315] : memref<4x4096x1024xf32, #tpu.memory_space<hbm>> -> memref<1x8x1024xf32, #tpu.memory_space<hbm>>
      %dma_wait3A_317 = tpu.memref_squeeze %dma_wait3A_316 : memref<1x8x1024xf32, #tpu.memory_space<hbm>> -> memref<8x1024xf32, #tpu.memory_space<hbm>>
      %dma_wait3A_318 = arith.constant 0 : i32
      %dma_wait3A_319 = tpu.memref_slice %arg2[%dma_wait3A_314, %add3A_313, %dma_wait3A_318] : memref<4x4096x1024xf32, #tpu.memory_space<hbm>> -> memref<1x8x1024xf32, #tpu.memory_space<hbm>>
      %dma_wait3A_320 = tpu.memref_squeeze %dma_wait3A_319 : memref<1x8x1024xf32, #tpu.memory_space<hbm>> -> memref<8x1024xf32, #tpu.memory_space<hbm>>
      tpu.wait_dma2 semaphore(%arg21 : memref<!tpu.dma_semaphore, #tpu.memory_space<semaphore_mem>>) src(%dma_wait3A_320 : memref<8x1024xf32, #tpu.memory_space<hbm>>) dst(%arg11 : memref<8x1024xf32, #tpu.memory_space<vmem>>)
      %parallel_loop3A_321 = arith.constant 0 : i32
      %parallel_loop3A_322 = arith.constant 512 : i32
      %parallel_loop3A_323 = arith.constant 1 : i32
      scf.for %parallel_loop3A_447 = %parallel_loop3A_321 to %parallel_loop3A_322 step %parallel_loop3A_323  : i32 {
        %parallel_loop3A_448 = arith.constant 6 : i32
        %parallel_loop3A_449 = arith.shrsi %parallel_loop3A_447, %parallel_loop3A_448 : i32
        %parallel_loop3A_450 = arith.constant 63 : i32
        %parallel_loop3A_451 = arith.andi %parallel_loop3A_447, %parallel_loop3A_450 : i32
        %parallel_loop3A_452 = arith.constant 16 : i32
        %parallel_loop3A_453 = arith.muli %parallel_loop3A_451, %parallel_loop3A_452 : i32
        %parallel_loop3A_454 = arith.index_cast %parallel_loop3A_449 : i32 to index
        %parallel_loop3A_455 = arith.index_cast %parallel_loop3A_453 : i32 to index
        %parallel_loop3A_456 = tpu.vector_load %arg6[%parallel_loop3A_454, %parallel_loop3A_455] {strides = array<i32>} : memref<8x1024xf32, #tpu.memory_space<vmem>>, vector<1x16xf32>,
        %parallel_loop3A_457 = vector.shape_cast %parallel_loop3A_456 : vector<1x16xf32> to vector<16xf32>
        %parallel_loop3A_458 = arith.index_cast %parallel_loop3A_449 : i32 to index
        %parallel_loop3A_459 = arith.index_cast %parallel_loop3A_453 : i32 to index
        %parallel_loop3A_460 = tpu.vector_load %arg11[%parallel_loop3A_458, %parallel_loop3A_459] {strides = array<i32>} : memref<8x1024xf32, #tpu.memory_space<vmem>>, vector<1x16xf32>,
        %parallel_loop3A_461 = vector.shape_cast %parallel_loop3A_460 : vector<1x16xf32> to vector<16xf32>
        %parallel_loop3A_462 = vector.shape_cast %parallel_loop3A_457 : vector<16xf32> to vector<1x16xf32>
        tpu.vector_store %arg11[%parallel_loop3A_458, %parallel_loop3A_459], %parallel_loop3A_462 {add = true, strides = array<i32>} : memref<8x1024xf32, #tpu.memory_space<vmem>>, vector<1x16xf32>,
      } {sc.loop_unroll_factor = 8 : i64, sc.parallel_access}
      %mul3A_324 = arith.constant 8 : i32
      %mul3A_325 = arith.muli %add3A_305, %mul3A_324 : i32
      %add3A_326 = arith.addi %mul3A_2, %mul3A_325 : i32
      %dma_start3A_327 = arith.constant 0 : i32
      %dma_start3A_328 = arith.constant 0 : i32
      %dma_start3A_329 = tpu.memref_slice %arg4[%dma_start3A_327, %add3A_326, %dma_start3A_328] : memref<4x4096x1024xf32, #tpu.memory_space<hbm>> -> memref<1x8x1024xf32, #tpu.memory_space<hbm>>
      %dma_start3A_330 = tpu.memref_squeeze %dma_start3A_329 : memref<1x8x1024xf32, #tpu.memory_space<hbm>> -> memref<8x1024xf32, #tpu.memory_space<hbm>>
      %dma_start3A_331 = arith.constant 0 : i32
      %dma_start3A_332 = tpu.memref_slice %arg4[%dma_start3A_327, %add3A_326, %dma_start3A_331] : memref<4x4096x1024xf32, #tpu.memory_space<hbm>> -> memref<1x8x1024xf32, #tpu.memory_space<hbm>>
      %dma_start3A_333 = tpu.memref_squeeze %dma_start3A_332 : memref<1x8x1024xf32, #tpu.memory_space<hbm>> -> memref<8x1024xf32, #tpu.memory_space<hbm>>
      tpu.enqueue_dma source(%arg11 : memref<8x1024xf32, #tpu.memory_space<vmem>>) target(%dma_start3A_333 : memref<8x1024xf32, #tpu.memory_space<hbm>>) target_semaphore(%arg29 : memref<!tpu.dma_semaphore, #tpu.memory_space<semaphore_mem>>)
      %ge3A_334 = arith.constant 1 : i32
      %ge3A_335 = arith.cmpi sge, %add3A_305, %ge3A_334 : i32
      %add3A_336 = arith.constant 1 : i32
      %add3A_337 = arith.addi %add3A_305, %add3A_336 : i32
      %lt3A_338 = arith.constant 16 : i32
      %lt3A_339 = arith.cmpi slt, %add3A_337, %lt3A_338 : i32
      %and3A_340 = arith.andi %ge3A_335, %lt3A_339 : i1
      %convert_element_type3A_341 = arith.extui %and3A_340 : i1 to i32
      %cond3A_342 = arith.constant 0 : i32
      %cond3A_343 = arith.cmpi ne, %convert_element_type3A_341, %cond3A_342 : i32
      scf.if %cond3A_343 {
        %add3A_447 = arith.constant 0 : i32
        %add3A_448 = arith.addi %mul3A_2, %add3A_447 : i32
        %dma_wait3A_449 = arith.constant 0 : i32
        %dma_wait3A_450 = arith.constant 0 : i32
        %dma_wait3A_451 = tpu.memref_slice %arg4[%dma_wait3A_449, %add3A_448, %dma_wait3A_450] : memref<4x4096x1024xf32, #tpu.memory_space<hbm>> -> memref<1x8x1024xf32, #tpu.memory_space<hbm>>
        %dma_wait3A_452 = tpu.memref_squeeze %dma_wait3A_451 : memref<1x8x1024xf32, #tpu.memory_space<hbm>> -> memref<8x1024xf32, #tpu.memory_space<hbm>>
        %dma_wait3A_453 = arith.constant 0 : i32
        %dma_wait3A_454 = tpu.memref_slice %arg4[%dma_wait3A_449, %add3A_448, %dma_wait3A_453] : memref<4x4096x1024xf32, #tpu.memory_space<hbm>> -> memref<1x8x1024xf32, #tpu.memory_space<hbm>>
        %dma_wait3A_455 = tpu.memref_squeeze %dma_wait3A_454 : memref<1x8x1024xf32, #tpu.memory_space<hbm>> -> memref<8x1024xf32, #tpu.memory_space<hbm>>
        tpu.wait_dma2 semaphore(%arg25 : memref<!tpu.dma_semaphore, #tpu.memory_space<semaphore_mem>>) src(%arg7 : memref<8x1024xf32, #tpu.memory_space<vmem>>) dst(%dma_wait3A_455 : memref<8x1024xf32, #tpu.memory_space<hbm>>)
        %add3A_456 = arith.constant 1 : i32
        %add3A_457 = arith.addi %add3A_305, %add3A_456 : i32
        %mul3A_458 = arith.constant 8 : i32
        %mul3A_459 = arith.muli %add3A_457, %mul3A_458 : i32
        %add3A_460 = arith.addi %mul3A_2, %mul3A_459 : i32
        %dma_start3A_461 = arith.constant 0 : i32
        %dma_start3A_462 = arith.constant 0 : i32
        %dma_start3A_463 = tpu.memref_slice %arg2[%dma_start3A_461, %add3A_460, %dma_start3A_462] : memref<4x4096x1024xf32, #tpu.memory_space<hbm>> -> memref<1x8x1024xf32, #tpu.memory_space<hbm>>
        %dma_start3A_464 = tpu.memref_squeeze %dma_start3A_463 : memref<1x8x1024xf32, #tpu.memory_space<hbm>> -> memref<8x1024xf32, #tpu.memory_space<hbm>>
        %dma_start3A_465 = arith.constant 0 : i32
        %dma_start3A_466 = tpu.memref_slice %arg2[%dma_start3A_461, %add3A_460, %dma_start3A_465] : memref<4x4096x1024xf32, #tpu.memory_space<hbm>> -> memref<1x8x1024xf32, #tpu.memory_space<hbm>>
        %dma_start3A_467 = tpu.memref_squeeze %dma_start3A_466 : memref<1x8x1024xf32, #tpu.memory_space<hbm>> -> memref<8x1024xf32, #tpu.memory_space<hbm>>
        tpu.enqueue_dma source(%dma_start3A_467 : memref<8x1024xf32, #tpu.memory_space<hbm>>) target(%arg7 : memref<8x1024xf32, #tpu.memory_space<vmem>>) target_semaphore(%arg17 : memref<!tpu.dma_semaphore, #tpu.memory_space<semaphore_mem>>)
      } else {
      }
      %add3A_344 = arith.constant 0 : i32
      %add3A_345 = arith.addi %mul3A_2, %add3A_344 : i32
      %dma_wait3A_346 = arith.constant 1 : i32
      %dma_wait3A_347 = arith.constant 0 : i32
      %dma_wait3A_348 = tpu.memref_slice %arg2[%dma_wait3A_346, %add3A_345, %dma_wait3A_347] : memref<4x4096x1024xf32, #tpu.memory_space<hbm>> -> memref<1x8x1024xf32, #tpu.memory_space<hbm>>
      %dma_wait3A_349 = tpu.memref_squeeze %dma_wait3A_348 : memref<1x8x1024xf32, #tpu.memory_space<hbm>> -> memref<8x1024xf32, #tpu.memory_space<hbm>>
      %dma_wait3A_350 = arith.constant 0 : i32
      %dma_wait3A_351 = tpu.memref_slice %arg2[%dma_wait3A_346, %add3A_345, %dma_wait3A_350] : memref<4x4096x1024xf32, #tpu.memory_space<hbm>> -> memref<1x8x1024xf32, #tpu.memory_space<hbm>>
      %dma_wait3A_352 = tpu.memref_squeeze %dma_wait3A_351 : memref<1x8x1024xf32, #tpu.memory_space<hbm>> -> memref<8x1024xf32, #tpu.memory_space<hbm>>
      tpu.wait_dma2 semaphore(%arg22 : memref<!tpu.dma_semaphore, #tpu.memory_space<semaphore_mem>>) src(%dma_wait3A_352 : memref<8x1024xf32, #tpu.memory_space<hbm>>) dst(%arg12 : memref<8x1024xf32, #tpu.memory_space<vmem>>)
      %parallel_loop3A_353 = arith.constant 0 : i32
      %parallel_loop3A_354 = arith.constant 512 : i32
      %parallel_loop3A_355 = arith.constant 1 : i32
      scf.for %parallel_loop3A_447 = %parallel_loop3A_353 to %parallel_loop3A_354 step %parallel_loop3A_355  : i32 {
        %parallel_loop3A_448 = arith.constant 6 : i32
        %parallel_loop3A_449 = arith.shrsi %parallel_loop3A_447, %parallel_loop3A_448 : i32
        %parallel_loop3A_450 = arith.constant 63 : i32
        %parallel_loop3A_451 = arith.andi %parallel_loop3A_447, %parallel_loop3A_450 : i32
        %parallel_loop3A_452 = arith.constant 16 : i32
        %parallel_loop3A_453 = arith.muli %parallel_loop3A_451, %parallel_loop3A_452 : i32
        %parallel_loop3A_454 = arith.index_cast %parallel_loop3A_449 : i32 to index
        %parallel_loop3A_455 = arith.index_cast %parallel_loop3A_453 : i32 to index
        %parallel_loop3A_456 = tpu.vector_load %arg6[%parallel_loop3A_454, %parallel_loop3A_455] {strides = array<i32>} : memref<8x1024xf32, #tpu.memory_space<vmem>>, vector<1x16xf32>,
        %parallel_loop3A_457 = vector.shape_cast %parallel_loop3A_456 : vector<1x16xf32> to vector<16xf32>
        %parallel_loop3A_458 = arith.index_cast %parallel_loop3A_449 : i32 to index
        %parallel_loop3A_459 = arith.index_cast %parallel_loop3A_453 : i32 to index
        %parallel_loop3A_460 = tpu.vector_load %arg12[%parallel_loop3A_458, %parallel_loop3A_459] {strides = array<i32>} : memref<8x1024xf32, #tpu.memory_space<vmem>>, vector<1x16xf32>,
        %parallel_loop3A_461 = vector.shape_cast %parallel_loop3A_460 : vector<1x16xf32> to vector<16xf32>
        %parallel_loop3A_462 = vector.shape_cast %parallel_loop3A_457 : vector<16xf32> to vector<1x16xf32>
        tpu.vector_store %arg12[%parallel_loop3A_458, %parallel_loop3A_459], %parallel_loop3A_462 {add = true, strides = array<i32>} : memref<8x1024xf32, #tpu.memory_space<vmem>>, vector<1x16xf32>,
      } {sc.loop_unroll_factor = 8 : i64, sc.parallel_access}
      %mul3A_356 = arith.constant 8 : i32
      %mul3A_357 = arith.muli %add3A_305, %mul3A_356 : i32
      %add3A_358 = arith.addi %mul3A_2, %mul3A_357 : i32
      %dma_start3A_359 = arith.constant 1 : i32
      %dma_start3A_360 = arith.constant 0 : i32
      %dma_start3A_361 = tpu.memref_slice %arg4[%dma_start3A_359, %add3A_358, %dma_start3A_360] : memref<4x4096x1024xf32, #tpu.memory_space<hbm>> -> memref<1x8x1024xf32, #tpu.memory_space<hbm>>
      %dma_start3A_362 = tpu.memref_squeeze %dma_start3A_361 : memref<1x8x1024xf32, #tpu.memory_space<hbm>> -> memref<8x1024xf32, #tpu.memory_space<hbm>>
      %dma_start3A_363 = arith.constant 0 : i32
      %dma_start3A_364 = tpu.memref_slice %arg4[%dma_start3A_359, %add3A_358, %dma_start3A_363] : memref<4x4096x1024xf32, #tpu.memory_space<hbm>> -> memref<1x8x1024xf32, #tpu.memory_space<hbm>>
      %dma_start3A_365 = tpu.memref_squeeze %dma_start3A_364 : memref<1x8x1024xf32, #tpu.memory_space<hbm>> -> memref<8x1024xf32, #tpu.memory_space<hbm>>
      tpu.enqueue_dma source(%arg12 : memref<8x1024xf32, #tpu.memory_space<vmem>>) target(%dma_start3A_365 : memref<8x1024xf32, #tpu.memory_space<hbm>>) target_semaphore(%arg30 : memref<!tpu.dma_semaphore, #tpu.memory_space<semaphore_mem>>)
      %ge3A_366 = arith.constant 1 : i32
      %ge3A_367 = arith.cmpi sge, %add3A_305, %ge3A_366 : i32
      %add3A_368 = arith.constant 1 : i32
      %add3A_369 = arith.addi %add3A_305, %add3A_368 : i32
      %lt3A_370 = arith.constant 16 : i32
      %lt3A_371 = arith.cmpi slt, %add3A_369, %lt3A_370 : i32
      %and3A_372 = arith.andi %ge3A_367, %lt3A_371 : i1
      %convert_element_type3A_373 = arith.extui %and3A_372 : i1 to i32
      %cond3A_374 = arith.constant 0 : i32
      %cond3A_375 = arith.cmpi ne, %convert_element_type3A_373, %cond3A_374 : i32
      scf.if %cond3A_375 {
        %add3A_447 = arith.constant 0 : i32
        %add3A_448 = arith.addi %mul3A_2, %add3A_447 : i32
        %dma_wait3A_449 = arith.constant 1 : i32
        %dma_wait3A_450 = arith.constant 0 : i32
        %dma_wait3A_451 = tpu.memref_slice %arg4[%dma_wait3A_449, %add3A_448, %dma_wait3A_450] : memref<4x4096x1024xf32, #tpu.memory_space<hbm>> -> memref<1x8x1024xf32, #tpu.memory_space<hbm>>
        %dma_wait3A_452 = tpu.memref_squeeze %dma_wait3A_451 : memref<1x8x1024xf32, #tpu.memory_space<hbm>> -> memref<8x1024xf32, #tpu.memory_space<hbm>>
        %dma_wait3A_453 = arith.constant 0 : i32
        %dma_wait3A_454 = tpu.memref_slice %arg4[%dma_wait3A_449, %add3A_448, %dma_wait3A_453] : memref<4x4096x1024xf32, #tpu.memory_space<hbm>> -> memref<1x8x1024xf32, #tpu.memory_space<hbm>>
        %dma_wait3A_455 = tpu.memref_squeeze %dma_wait3A_454 : memref<1x8x1024xf32, #tpu.memory_space<hbm>> -> memref<8x1024xf32, #tpu.memory_space<hbm>>
        tpu.wait_dma2 semaphore(%arg26 : memref<!tpu.dma_semaphore, #tpu.memory_space<semaphore_mem>>) src(%arg8 : memref<8x1024xf32, #tpu.memory_space<vmem>>) dst(%dma_wait3A_455 : memref<8x1024xf32, #tpu.memory_space<hbm>>)
        %add3A_456 = arith.constant 1 : i32
        %add3A_457 = arith.addi %add3A_305, %add3A_456 : i32
        %mul3A_458 = arith.constant 8 : i32
        %mul3A_459 = arith.muli %add3A_457, %mul3A_458 : i32
        %add3A_460 = arith.addi %mul3A_2, %mul3A_459 : i32
        %dma_start3A_461 = arith.constant 1 : i32
        %dma_start3A_462 = arith.constant 0 : i32
        %dma_start3A_463 = tpu.memref_slice %arg2[%dma_start3A_461, %add3A_460, %dma_start3A_462] : memref<4x4096x1024xf32, #tpu.memory_space<hbm>> -> memref<1x8x1024xf32, #tpu.memory_space<hbm>>
        %dma_start3A_464 = tpu.memref_squeeze %dma_start3A_463 : memref<1x8x1024xf32, #tpu.memory_space<hbm>> -> memref<8x1024xf32, #tpu.memory_space<hbm>>
        %dma_start3A_465 = arith.constant 0 : i32
        %dma_start3A_466 = tpu.memref_slice %arg2[%dma_start3A_461, %add3A_460, %dma_start3A_465] : memref<4x4096x1024xf32, #tpu.memory_space<hbm>> -> memref<1x8x1024xf32, #tpu.memory_space<hbm>>
        %dma_start3A_467 = tpu.memref_squeeze %dma_start3A_466 : memref<1x8x1024xf32, #tpu.memory_space<hbm>> -> memref<8x1024xf32, #tpu.memory_space<hbm>>
        tpu.enqueue_dma source(%dma_start3A_467 : memref<8x1024xf32, #tpu.memory_space<hbm>>) target(%arg8 : memref<8x1024xf32, #tpu.memory_space<vmem>>) target_semaphore(%arg18 : memref<!tpu.dma_semaphore, #tpu.memory_space<semaphore_mem>>)
      } else {
      }
      %add3A_376 = arith.constant 0 : i32
      %add3A_377 = arith.addi %mul3A_2, %add3A_376 : i32
      %dma_wait3A_378 = arith.constant 2 : i32
      %dma_wait3A_379 = arith.constant 0 : i32
      %dma_wait3A_380 = tpu.memref_slice %arg2[%dma_wait3A_378, %add3A_377, %dma_wait3A_379] : memref<4x4096x1024xf32, #tpu.memory_space<hbm>> -> memref<1x8x1024xf32, #tpu.memory_space<hbm>>
      %dma_wait3A_381 = tpu.memref_squeeze %dma_wait3A_380 : memref<1x8x1024xf32, #tpu.memory_space<hbm>> -> memref<8x1024xf32, #tpu.memory_space<hbm>>
      %dma_wait3A_382 = arith.constant 0 : i32
      %dma_wait3A_383 = tpu.memref_slice %arg2[%dma_wait3A_378, %add3A_377, %dma_wait3A_382] : memref<4x4096x1024xf32, #tpu.memory_space<hbm>> -> memref<1x8x1024xf32, #tpu.memory_space<hbm>>
      %dma_wait3A_384 = tpu.memref_squeeze %dma_wait3A_383 : memref<1x8x1024xf32, #tpu.memory_space<hbm>> -> memref<8x1024xf32, #tpu.memory_space<hbm>>
      tpu.wait_dma2 semaphore(%arg23 : memref<!tpu.dma_semaphore, #tpu.memory_space<semaphore_mem>>) src(%dma_wait3A_384 : memref<8x1024xf32, #tpu.memory_space<hbm>>) dst(%arg13 : memref<8x1024xf32, #tpu.memory_space<vmem>>)
      %parallel_loop3A_385 = arith.constant 0 : i32
      %parallel_loop3A_386 = arith.constant 512 : i32
      %parallel_loop3A_387 = arith.constant 1 : i32
      scf.for %parallel_loop3A_447 = %parallel_loop3A_385 to %parallel_loop3A_386 step %parallel_loop3A_387  : i32 {
        %parallel_loop3A_448 = arith.constant 6 : i32
        %parallel_loop3A_449 = arith.shrsi %parallel_loop3A_447, %parallel_loop3A_448 : i32
        %parallel_loop3A_450 = arith.constant 63 : i32
        %parallel_loop3A_451 = arith.andi %parallel_loop3A_447, %parallel_loop3A_450 : i32
        %parallel_loop3A_452 = arith.constant 16 : i32
        %parallel_loop3A_453 = arith.muli %parallel_loop3A_451, %parallel_loop3A_452 : i32
        %parallel_loop3A_454 = arith.index_cast %parallel_loop3A_449 : i32 to index
        %parallel_loop3A_455 = arith.index_cast %parallel_loop3A_453 : i32 to index
        %parallel_loop3A_456 = tpu.vector_load %arg6[%parallel_loop3A_454, %parallel_loop3A_455] {strides = array<i32>} : memref<8x1024xf32, #tpu.memory_space<vmem>>, vector<1x16xf32>,
        %parallel_loop3A_457 = vector.shape_cast %parallel_loop3A_456 : vector<1x16xf32> to vector<16xf32>
        %parallel_loop3A_458 = arith.index_cast %parallel_loop3A_449 : i32 to index
        %parallel_loop3A_459 = arith.index_cast %parallel_loop3A_453 : i32 to index
        %parallel_loop3A_460 = tpu.vector_load %arg13[%parallel_loop3A_458, %parallel_loop3A_459] {strides = array<i32>} : memref<8x1024xf32, #tpu.memory_space<vmem>>, vector<1x16xf32>,
        %parallel_loop3A_461 = vector.shape_cast %parallel_loop3A_460 : vector<1x16xf32> to vector<16xf32>
        %parallel_loop3A_462 = vector.shape_cast %parallel_loop3A_457 : vector<16xf32> to vector<1x16xf32>
        tpu.vector_store %arg13[%parallel_loop3A_458, %parallel_loop3A_459], %parallel_loop3A_462 {add = true, strides = array<i32>} : memref<8x1024xf32, #tpu.memory_space<vmem>>, vector<1x16xf32>,
      } {sc.loop_unroll_factor = 8 : i64, sc.parallel_access}
      %mul3A_388 = arith.constant 8 : i32
      %mul3A_389 = arith.muli %add3A_305, %mul3A_388 : i32
      %add3A_390 = arith.addi %mul3A_2, %mul3A_389 : i32
      %dma_start3A_391 = arith.constant 2 : i32
      %dma_start3A_392 = arith.constant 0 : i32
      %dma_start3A_393 = tpu.memref_slice %arg4[%dma_start3A_391, %add3A_390, %dma_start3A_392] : memref<4x4096x1024xf32, #tpu.memory_space<hbm>> -> memref<1x8x1024xf32, #tpu.memory_space<hbm>>
      %dma_start3A_394 = tpu.memref_squeeze %dma_start3A_393 : memref<1x8x1024xf32, #tpu.memory_space<hbm>> -> memref<8x1024xf32, #tpu.memory_space<hbm>>
      %dma_start3A_395 = arith.constant 0 : i32
      %dma_start3A_396 = tpu.memref_slice %arg4[%dma_start3A_391, %add3A_390, %dma_start3A_395] : memref<4x4096x1024xf32, #tpu.memory_space<hbm>> -> memref<1x8x1024xf32, #tpu.memory_space<hbm>>
      %dma_start3A_397 = tpu.memref_squeeze %dma_start3A_396 : memref<1x8x1024xf32, #tpu.memory_space<hbm>> -> memref<8x1024xf32, #tpu.memory_space<hbm>>
      tpu.enqueue_dma source(%arg13 : memref<8x1024xf32, #tpu.memory_space<vmem>>) target(%dma_start3A_397 : memref<8x1024xf32, #tpu.memory_space<hbm>>) target_semaphore(%arg31 : memref<!tpu.dma_semaphore, #tpu.memory_space<semaphore_mem>>)
      %ge3A_398 = arith.constant 1 : i32
      %ge3A_399 = arith.cmpi sge, %add3A_305, %ge3A_398 : i32
      %add3A_400 = arith.constant 1 : i32
      %add3A_401 = arith.addi %add3A_305, %add3A_400 : i32
      %lt3A_402 = arith.constant 16 : i32
      %lt3A_403 = arith.cmpi slt, %add3A_401, %lt3A_402 : i32
      %and3A_404 = arith.andi %ge3A_399, %lt3A_403 : i1
      %convert_element_type3A_405 = arith.extui %and3A_404 : i1 to i32
      %cond3A_406 = arith.constant 0 : i32
      %cond3A_407 = arith.cmpi ne, %convert_element_type3A_405, %cond3A_406 : i32
      scf.if %cond3A_407 {
        %add3A_447 = arith.constant 0 : i32
        %add3A_448 = arith.addi %mul3A_2, %add3A_447 : i32
        %dma_wait3A_449 = arith.constant 2 : i32
        %dma_wait3A_450 = arith.constant 0 : i32
        %dma_wait3A_451 = tpu.memref_slice %arg4[%dma_wait3A_449, %add3A_448, %dma_wait3A_450] : memref<4x4096x1024xf32, #tpu.memory_space<hbm>> -> memref<1x8x1024xf32, #tpu.memory_space<hbm>>
        %dma_wait3A_452 = tpu.memref_squeeze %dma_wait3A_451 : memref<1x8x1024xf32, #tpu.memory_space<hbm>> -> memref<8x1024xf32, #tpu.memory_space<hbm>>
        %dma_wait3A_453 = arith.constant 0 : i32
        %dma_wait3A_454 = tpu.memref_slice %arg4[%dma_wait3A_449, %add3A_448, %dma_wait3A_453] : memref<4x4096x1024xf32, #tpu.memory_space<hbm>> -> memref<1x8x1024xf32, #tpu.memory_space<hbm>>
        %dma_wait3A_455 = tpu.memref_squeeze %dma_wait3A_454 : memref<1x8x1024xf32, #tpu.memory_space<hbm>> -> memref<8x1024xf32, #tpu.memory_space<hbm>>
        tpu.wait_dma2 semaphore(%arg27 : memref<!tpu.dma_semaphore, #tpu.memory_space<semaphore_mem>>) src(%arg9 : memref<8x1024xf32, #tpu.memory_space<vmem>>) dst(%dma_wait3A_455 : memref<8x1024xf32, #tpu.memory_space<hbm>>)
        %add3A_456 = arith.constant 1 : i32
        %add3A_457 = arith.addi %add3A_305, %add3A_456 : i32
        %mul3A_458 = arith.constant 8 : i32
        %mul3A_459 = arith.muli %add3A_457, %mul3A_458 : i32
        %add3A_460 = arith.addi %mul3A_2, %mul3A_459 : i32
        %dma_start3A_461 = arith.constant 2 : i32
        %dma_start3A_462 = arith.constant 0 : i32
        %dma_start3A_463 = tpu.memref_slice %arg2[%dma_start3A_461, %add3A_460, %dma_start3A_462] : memref<4x4096x1024xf32, #tpu.memory_space<hbm>> -> memref<1x8x1024xf32, #tpu.memory_space<hbm>>
        %dma_start3A_464 = tpu.memref_squeeze %dma_start3A_463 : memref<1x8x1024xf32, #tpu.memory_space<hbm>> -> memref<8x1024xf32, #tpu.memory_space<hbm>>
        %dma_start3A_465 = arith.constant 0 : i32
        %dma_start3A_466 = tpu.memref_slice %arg2[%dma_start3A_461, %add3A_460, %dma_start3A_465] : memref<4x4096x1024xf32, #tpu.memory_space<hbm>> -> memref<1x8x1024xf32, #tpu.memory_space<hbm>>
        %dma_start3A_467 = tpu.memref_squeeze %dma_start3A_466 : memref<1x8x1024xf32, #tpu.memory_space<hbm>> -> memref<8x1024xf32, #tpu.memory_space<hbm>>
        tpu.enqueue_dma source(%dma_start3A_467 : memref<8x1024xf32, #tpu.memory_space<hbm>>) target(%arg9 : memref<8x1024xf32, #tpu.memory_space<vmem>>) target_semaphore(%arg19 : memref<!tpu.dma_semaphore, #tpu.memory_space<semaphore_mem>>)
      } else {
      }
      %add3A_408 = arith.constant 0 : i32
      %add3A_409 = arith.addi %mul3A_2, %add3A_408 : i32
      %dma_wait3A_410 = arith.constant 3 : i32
      %dma_wait3A_411 = arith.constant 0 : i32
      %dma_wait3A_412 = tpu.memref_slice %arg2[%dma_wait3A_410, %add3A_409, %dma_wait3A_411] : memref<4x4096x1024xf32, #tpu.memory_space<hbm>> -> memref<1x8x1024xf32, #tpu.memory_space<hbm>>
      %dma_wait3A_413 = tpu.memref_squeeze %dma_wait3A_412 : memref<1x8x1024xf32, #tpu.memory_space<hbm>> -> memref<8x1024xf32, #tpu.memory_space<hbm>>
      %dma_wait3A_414 = arith.constant 0 : i32
      %dma_wait3A_415 = tpu.memref_slice %arg2[%dma_wait3A_410, %add3A_409, %dma_wait3A_414] : memref<4x4096x1024xf32, #tpu.memory_space<hbm>> -> memref<1x8x1024xf32, #tpu.memory_space<hbm>>
      %dma_wait3A_416 = tpu.memref_squeeze %dma_wait3A_415 : memref<1x8x1024xf32, #tpu.memory_space<hbm>> -> memref<8x1024xf32, #tpu.memory_space<hbm>>
      tpu.wait_dma2 semaphore(%arg24 : memref<!tpu.dma_semaphore, #tpu.memory_space<semaphore_mem>>) src(%dma_wait3A_416 : memref<8x1024xf32, #tpu.memory_space<hbm>>) dst(%arg14 : memref<8x1024xf32, #tpu.memory_space<vmem>>)
      %parallel_loop3A_417 = arith.constant 0 : i32
      %parallel_loop3A_418 = arith.constant 512 : i32
      %parallel_loop3A_419 = arith.constant 1 : i32
      scf.for %parallel_loop3A_447 = %parallel_loop3A_417 to %parallel_loop3A_418 step %parallel_loop3A_419  : i32 {
        %parallel_loop3A_448 = arith.constant 6 : i32
        %parallel_loop3A_449 = arith.shrsi %parallel_loop3A_447, %parallel_loop3A_448 : i32
        %parallel_loop3A_450 = arith.constant 63 : i32
        %parallel_loop3A_451 = arith.andi %parallel_loop3A_447, %parallel_loop3A_450 : i32
        %parallel_loop3A_452 = arith.constant 16 : i32
        %parallel_loop3A_453 = arith.muli %parallel_loop3A_451, %parallel_loop3A_452 : i32
        %parallel_loop3A_454 = arith.index_cast %parallel_loop3A_449 : i32 to index
        %parallel_loop3A_455 = arith.index_cast %parallel_loop3A_453 : i32 to index
        %parallel_loop3A_456 = tpu.vector_load %arg6[%parallel_loop3A_454, %parallel_loop3A_455] {strides = array<i32>} : memref<8x1024xf32, #tpu.memory_space<vmem>>, vector<1x16xf32>,
        %parallel_loop3A_457 = vector.shape_cast %parallel_loop3A_456 : vector<1x16xf32> to vector<16xf32>
        %parallel_loop3A_458 = arith.index_cast %parallel_loop3A_449 : i32 to index
        %parallel_loop3A_459 = arith.index_cast %parallel_loop3A_453 : i32 to index
        %parallel_loop3A_460 = tpu.vector_load %arg14[%parallel_loop3A_458, %parallel_loop3A_459] {strides = array<i32>} : memref<8x1024xf32, #tpu.memory_space<vmem>>, vector<1x16xf32>,
        %parallel_loop3A_461 = vector.shape_cast %parallel_loop3A_460 : vector<1x16xf32> to vector<16xf32>
        %parallel_loop3A_462 = vector.shape_cast %parallel_loop3A_457 : vector<16xf32> to vector<1x16xf32>
        tpu.vector_store %arg14[%parallel_loop3A_458, %parallel_loop3A_459], %parallel_loop3A_462 {add = true, strides = array<i32>} : memref<8x1024xf32, #tpu.memory_space<vmem>>, vector<1x16xf32>,
      } {sc.loop_unroll_factor = 8 : i64, sc.parallel_access}
      %mul3A_420 = arith.constant 8 : i32
      %mul3A_421 = arith.muli %add3A_305, %mul3A_420 : i32
      %add3A_422 = arith.addi %mul3A_2, %mul3A_421 : i32
      %dma_start3A_423 = arith.constant 3 : i32
      %dma_start3A_424 = arith.constant 0 : i32
      %dma_start3A_425 = tpu.memref_slice %arg4[%dma_start3A_423, %add3A_422, %dma_start3A_424] : memref<4x4096x1024xf32, #tpu.memory_space<hbm>> -> memref<1x8x1024xf32, #tpu.memory_space<hbm>>
      %dma_start3A_426 = tpu.memref_squeeze %dma_start3A_425 : memref<1x8x1024xf32, #tpu.memory_space<hbm>> -> memref<8x1024xf32, #tpu.memory_space<hbm>>
      %dma_start3A_427 = arith.constant 0 : i32
      %dma_start3A_428 = tpu.memref_slice %arg4[%dma_start3A_423, %add3A_422, %dma_start3A_427] : memref<4x4096x1024xf32, #tpu.memory_space<hbm>> -> memref<1x8x1024xf32, #tpu.memory_space<hbm>>
      %dma_start3A_429 = tpu.memref_squeeze %dma_start3A_428 : memref<1x8x1024xf32, #tpu.memory_space<hbm>> -> memref<8x1024xf32, #tpu.memory_space<hbm>>
      tpu.enqueue_dma source(%arg14 : memref<8x1024xf32, #tpu.memory_space<vmem>>) target(%dma_start3A_429 : memref<8x1024xf32, #tpu.memory_space<hbm>>) target_semaphore(%arg32 : memref<!tpu.dma_semaphore, #tpu.memory_space<semaphore_mem>>)
      %ge3A_430 = arith.constant 1 : i32
      %ge3A_431 = arith.cmpi sge, %add3A_305, %ge3A_430 : i32
      %add3A_432 = arith.constant 1 : i32
      %add3A_433 = arith.addi %add3A_305, %add3A_432 : i32
      %lt3A_434 = arith.constant 16 : i32
      %lt3A_435 = arith.cmpi slt, %add3A_433, %lt3A_434 : i32
      %and3A_436 = arith.andi %ge3A_431, %lt3A_435 : i1
      %convert_element_type3A_437 = arith.extui %and3A_436 : i1 to i32
      %cond3A_438 = arith.constant 0 : i32
      %cond3A_439 = arith.cmpi ne, %convert_element_type3A_437, %cond3A_438 : i32
      scf.if %cond3A_439 {
        %add3A_447 = arith.constant 0 : i32
        %add3A_448 = arith.addi %mul3A_2, %add3A_447 : i32
        %dma_wait3A_449 = arith.constant 3 : i32
        %dma_wait3A_450 = arith.constant 0 : i32
        %dma_wait3A_451 = tpu.memref_slice %arg4[%dma_wait3A_449, %add3A_448, %dma_wait3A_450] : memref<4x4096x1024xf32, #tpu.memory_space<hbm>> -> memref<1x8x1024xf32, #tpu.memory_space<hbm>>
        %dma_wait3A_452 = tpu.memref_squeeze %dma_wait3A_451 : memref<1x8x1024xf32, #tpu.memory_space<hbm>> -> memref<8x1024xf32, #tpu.memory_space<hbm>>
        %dma_wait3A_453 = arith.constant 0 : i32
        %dma_wait3A_454 = tpu.memref_slice %arg4[%dma_wait3A_449, %add3A_448, %dma_wait3A_453] : memref<4x4096x1024xf32, #tpu.memory_space<hbm>> -> memref<1x8x1024xf32, #tpu.memory_space<hbm>>
        %dma_wait3A_455 = tpu.memref_squeeze %dma_wait3A_454 : memref<1x8x1024xf32, #tpu.memory_space<hbm>> -> memref<8x1024xf32, #tpu.memory_space<hbm>>
        tpu.wait_dma2 semaphore(%arg28 : memref<!tpu.dma_semaphore, #tpu.memory_space<semaphore_mem>>) src(%arg10 : memref<8x1024xf32, #tpu.memory_space<vmem>>) dst(%dma_wait3A_455 : memref<8x1024xf32, #tpu.memory_space<hbm>>)
        %add3A_456 = arith.constant 1 : i32
        %add3A_457 = arith.addi %add3A_305, %add3A_456 : i32
        %mul3A_458 = arith.constant 8 : i32
        %mul3A_459 = arith.muli %add3A_457, %mul3A_458 : i32
        %add3A_460 = arith.addi %mul3A_2, %mul3A_459 : i32
        %dma_start3A_461 = arith.constant 3 : i32
        %dma_start3A_462 = arith.constant 0 : i32
        %dma_start3A_463 = tpu.memref_slice %arg2[%dma_start3A_461, %add3A_460, %dma_start3A_462] : memref<4x4096x1024xf32, #tpu.memory_space<hbm>> -> memref<1x8x1024xf32, #tpu.memory_space<hbm>>
        %dma_start3A_464 = tpu.memref_squeeze %dma_start3A_463 : memref<1x8x1024xf32, #tpu.memory_space<hbm>> -> memref<8x1024xf32, #tpu.memory_space<hbm>>
        %dma_start3A_465 = arith.constant 0 : i32
        %dma_start3A_466 = tpu.memref_slice %arg2[%dma_start3A_461, %add3A_460, %dma_start3A_465] : memref<4x4096x1024xf32, #tpu.memory_space<hbm>> -> memref<1x8x1024xf32, #tpu.memory_space<hbm>>
        %dma_start3A_467 = tpu.memref_squeeze %dma_start3A_466 : memref<1x8x1024xf32, #tpu.memory_space<hbm>> -> memref<8x1024xf32, #tpu.memory_space<hbm>>
        tpu.enqueue_dma source(%dma_start3A_467 : memref<8x1024xf32, #tpu.memory_space<hbm>>) target(%arg10 : memref<8x1024xf32, #tpu.memory_space<vmem>>) target_semaphore(%arg20 : memref<!tpu.dma_semaphore, #tpu.memory_space<semaphore_mem>>)
      } else {
      }
      %add3A_440 = arith.constant 2 : i32
      %add3A_441 = arith.addi %add3A_305, %add3A_440 : i32
      %lt3A_442 = arith.constant 16 : i32
      %lt3A_443 = arith.cmpi slt, %add3A_441, %lt3A_442 : i32
      %convert_element_type3A_444 = arith.extui %lt3A_443 : i1 to i32
      %cond3A_445 = arith.constant 0 : i32
      %cond3A_446 = arith.cmpi ne, %convert_element_type3A_444, %cond3A_445 : i32
      scf.if %cond3A_446 {
        %add3A_447 = arith.constant 2 : i32
        %add3A_448 = arith.addi %add3A_305, %add3A_447 : i32
        %mul3A_449 = arith.constant 8 : i32
        %mul3A_450 = arith.muli %add3A_448, %mul3A_449 : i32
        %add3A_451 = arith.addi %mul3A_2, %mul3A_450 : i32
        %dma_start3A_452 = arith.constant 0 : i32
        %dma_start3A_453 = tpu.memref_slice %arg3[%add3A_451, %dma_start3A_452] : memref<4096x1024xf32, #tpu.memory_space<hbm>> -> memref<8x1024xf32, #tpu.memory_space<hbm>>
        %dma_start3A_454 = arith.constant 0 : i32
        %dma_start3A_455 = tpu.memref_slice %arg3[%add3A_451, %dma_start3A_454] : memref<4096x1024xf32, #tpu.memory_space<hbm>> -> memref<8x1024xf32, #tpu.memory_space<hbm>>
        tpu.enqueue_dma source(%dma_start3A_455 : memref<8x1024xf32, #tpu.memory_space<hbm>>) target(%arg6 : memref<8x1024xf32, #tpu.memory_space<vmem>>) target_semaphore(%arg16 : memref<!tpu.dma_semaphore, #tpu.memory_space<semaphore_mem>>)
      } else {
      }
    }
    %scan3A_90 = arith.constant 8 : i32
    %add3A_91 = arith.constant 112 : i32
    %add3A_92 = arith.addi %mul3A_2, %add3A_91 : i32
    %dma_wait3A = arith.constant 0 : i32
    %dma_wait3A_93 = arith.constant 0 : i32
    %dma_wait3A_94 = tpu.memref_slice %arg4[%dma_wait3A, %add3A_92, %dma_wait3A_93] : memref<4x4096x1024xf32, #tpu.memory_space<hbm>> -> memref<1x8x1024xf32, #tpu.memory_space<hbm>>
    %dma_wait3A_95 = tpu.memref_squeeze %dma_wait3A_94 : memref<1x8x1024xf32, #tpu.memory_space<hbm>> -> memref<8x1024xf32, #tpu.memory_space<hbm>>
    %dma_wait3A_96 = arith.constant 0 : i32
    %dma_wait3A_97 = tpu.memref_slice %arg4[%dma_wait3A, %add3A_92, %dma_wait3A_96] : memref<4x4096x1024xf32, #tpu.memory_space<hbm>> -> memref<1x8x1024xf32, #tpu.memory_space<hbm>>
    %dma_wait3A_98 = tpu.memref_squeeze %dma_wait3A_97 : memref<1x8x1024xf32, #tpu.memory_space<hbm>> -> memref<8x1024xf32, #tpu.memory_space<hbm>>
    tpu.wait_dma2 semaphore(%arg25 : memref<!tpu.dma_semaphore, #tpu.memory_space<semaphore_mem>>) src(%arg7 : memref<8x1024xf32, #tpu.memory_space<vmem>>) dst(%dma_wait3A_98 : memref<8x1024xf32, #tpu.memory_space<hbm>>)
    %add3A_99 = arith.constant 120 : i32
    %add3A_100 = arith.addi %mul3A_2, %add3A_99 : i32
    %dma_wait3A_101 = arith.constant 0 : i32
    %dma_wait3A_102 = arith.constant 0 : i32
    %dma_wait3A_103 = tpu.memref_slice %arg4[%dma_wait3A_101, %add3A_100, %dma_wait3A_102] : memref<4x4096x1024xf32, #tpu.memory_space<hbm>> -> memref<1x8x1024xf32, #tpu.memory_space<hbm>>
    %dma_wait3A_104 = tpu.memref_squeeze %dma_wait3A_103 : memref<1x8x1024xf32, #tpu.memory_space<hbm>> -> memref<8x1024xf32, #tpu.memory_space<hbm>>
    %dma_wait3A_105 = arith.constant 0 : i32
    %dma_wait3A_106 = tpu.memref_slice %arg4[%dma_wait3A_101, %add3A_100, %dma_wait3A_105] : memref<4x4096x1024xf32, #tpu.memory_space<hbm>> -> memref<1x8x1024xf32, #tpu.memory_space<hbm>>
    %dma_wait3A_107 = tpu.memref_squeeze %dma_wait3A_106 : memref<1x8x1024xf32, #tpu.memory_space<hbm>> -> memref<8x1024xf32, #tpu.memory_space<hbm>>
    tpu.wait_dma2 semaphore(%arg29 : memref<!tpu.dma_semaphore, #tpu.memory_space<semaphore_mem>>) src(%arg11 : memref<8x1024xf32, #tpu.memory_space<vmem>>) dst(%dma_wait3A_107 : memref<8x1024xf32, #tpu.memory_space<hbm>>)
    %add3A_108 = arith.constant 112 : i32
    %add3A_109 = arith.addi %mul3A_2, %add3A_108 : i32
    %dma_wait3A_110 = arith.constant 1 : i32
    %dma_wait3A_111 = arith.constant 0 : i32
    %dma_wait3A_112 = tpu.memref_slice %arg4[%dma_wait3A_110, %add3A_109, %dma_wait3A_111] : memref<4x4096x1024xf32, #tpu.memory_space<hbm>> -> memref<1x8x1024xf32, #tpu.memory_space<hbm>>
    %dma_wait3A_113 = tpu.memref_squeeze %dma_wait3A_112 : memref<1x8x1024xf32, #tpu.memory_space<hbm>> -> memref<8x1024xf32, #tpu.memory_space<hbm>>
    %dma_wait3A_114 = arith.constant 0 : i32
    %dma_wait3A_115 = tpu.memref_slice %arg4[%dma_wait3A_110, %add3A_109, %dma_wait3A_114] : memref<4x4096x1024xf32, #tpu.memory_space<hbm>> -> memref<1x8x1024xf32, #tpu.memory_space<hbm>>
    %dma_wait3A_116 = tpu.memref_squeeze %dma_wait3A_115 : memref<1x8x1024xf32, #tpu.memory_space<hbm>> -> memref<8x1024xf32, #tpu.memory_space<hbm>>
    tpu.wait_dma2 semaphore(%arg26 : memref<!tpu.dma_semaphore, #tpu.memory_space<semaphore_mem>>) src(%arg8 : memref<8x1024xf32, #tpu.memory_space<vmem>>) dst(%dma_wait3A_116 : memref<8x1024xf32, #tpu.memory_space<hbm>>)
    %add3A_117 = arith.constant 120 : i32
    %add3A_118 = arith.addi %mul3A_2, %add3A_117 : i32
    %dma_wait3A_119 = arith.constant 1 : i32
    %dma_wait3A_120 = arith.constant 0 : i32
    %dma_wait3A_121 = tpu.memref_slice %arg4[%dma_wait3A_119, %add3A_118, %dma_wait3A_120] : memref<4x4096x1024xf32, #tpu.memory_space<hbm>> -> memref<1x8x1024xf32, #tpu.memory_space<hbm>>
    %dma_wait3A_122 = tpu.memref_squeeze %dma_wait3A_121 : memref<1x8x1024xf32, #tpu.memory_space<hbm>> -> memref<8x1024xf32, #tpu.memory_space<hbm>>
    %dma_wait3A_123 = arith.constant 0 : i32
    %dma_wait3A_124 = tpu.memref_slice %arg4[%dma_wait3A_119, %add3A_118, %dma_wait3A_123] : memref<4x4096x1024xf32, #tpu.memory_space<hbm>> -> memref<1x8x1024xf32, #tpu.memory_space<hbm>>
    %dma_wait3A_125 = tpu.memref_squeeze %dma_wait3A_124 : memref<1x8x1024xf32, #tpu.memory_space<hbm>> -> memref<8x1024xf32, #tpu.memory_space<hbm>>
    tpu.wait_dma2 semaphore(%arg30 : memref<!tpu.dma_semaphore, #tpu.memory_space<semaphore_mem>>) src(%arg12 : memref<8x1024xf32, #tpu.memory_space<vmem>>) dst(%dma_wait3A_125 : memref<8x1024xf32, #tpu.memory_space<hbm>>)
    %add3A_126 = arith.constant 112 : i32
    %add3A_127 = arith.addi %mul3A_2, %add3A_126 : i32
    %dma_wait3A_128 = arith.constant 2 : i32
    %dma_wait3A_129 = arith.constant 0 : i32
    %dma_wait3A_130 = tpu.memref_slice %arg4[%dma_wait3A_128, %add3A_127, %dma_wait3A_129] : memref<4x4096x1024xf32, #tpu.memory_space<hbm>> -> memref<1x8x1024xf32, #tpu.memory_space<hbm>>
    %dma_wait3A_131 = tpu.memref_squeeze %dma_wait3A_130 : memref<1x8x1024xf32, #tpu.memory_space<hbm>> -> memref<8x1024xf32, #tpu.memory_space<hbm>>
    %dma_wait3A_132 = arith.constant 0 : i32
    %dma_wait3A_133 = tpu.memref_slice %arg4[%dma_wait3A_128, %add3A_127, %dma_wait3A_132] : memref<4x4096x1024xf32, #tpu.memory_space<hbm>> -> memref<1x8x1024xf32, #tpu.memory_space<hbm>>
    %dma_wait3A_134 = tpu.memref_squeeze %dma_wait3A_133 : memref<1x8x1024xf32, #tpu.memory_space<hbm>> -> memref<8x1024xf32, #tpu.memory_space<hbm>>
    tpu.wait_dma2 semaphore(%arg27 : memref<!tpu.dma_semaphore, #tpu.memory_space<semaphore_mem>>) src(%arg9 : memref<8x1024xf32, #tpu.memory_space<vmem>>) dst(%dma_wait3A_134 : memref<8x1024xf32, #tpu.memory_space<hbm>>)
    %add3A_135 = arith.constant 120 : i32
    %add3A_136 = arith.addi %mul3A_2, %add3A_135 : i32
    %dma_wait3A_137 = arith.constant 2 : i32
    %dma_wait3A_138 = arith.constant 0 : i32
    %dma_wait3A_139 = tpu.memref_slice %arg4[%dma_wait3A_137, %add3A_136, %dma_wait3A_138] : memref<4x4096x1024xf32, #tpu.memory_space<hbm>> -> memref<1x8x1024xf32, #tpu.memory_space<hbm>>
    %dma_wait3A_140 = tpu.memref_squeeze %dma_wait3A_139 : memref<1x8x1024xf32, #tpu.memory_space<hbm>> -> memref<8x1024xf32, #tpu.memory_space<hbm>>
    %dma_wait3A_141 = arith.constant 0 : i32
    %dma_wait3A_142 = tpu.memref_slice %arg4[%dma_wait3A_137, %add3A_136, %dma_wait3A_141] : memref<4x4096x1024xf32, #tpu.memory_space<hbm>> -> memref<1x8x1024xf32, #tpu.memory_space<hbm>>
    %dma_wait3A_143 = tpu.memref_squeeze %dma_wait3A_142 : memref<1x8x1024xf32, #tpu.memory_space<hbm>> -> memref<8x1024xf32, #tpu.memory_space<hbm>>
    tpu.wait_dma2 semaphore(%arg31 : memref<!tpu.dma_semaphore, #tpu.memory_space<semaphore_mem>>) src(%arg13 : memref<8x1024xf32, #tpu.memory_space<vmem>>) dst(%dma_wait3A_143 : memref<8x1024xf32, #tpu.memory_space<hbm>>)
    %add3A_144 = arith.constant 112 : i32
    %add3A_145 = arith.addi %mul3A_2, %add3A_144 : i32
    %dma_wait3A_146 = arith.constant 3 : i32
    %dma_wait3A_147 = arith.constant 0 : i32
    %dma_wait3A_148 = tpu.memref_slice %arg4[%dma_wait3A_146, %add3A_145, %dma_wait3A_147] : memref<4x4096x1024xf32, #tpu.memory_space<hbm>> -> memref<1x8x1024xf32, #tpu.memory_space<hbm>>
    %dma_wait3A_149 = tpu.memref_squeeze %dma_wait3A_148 : memref<1x8x1024xf32, #tpu.memory_space<hbm>> -> memref<8x1024xf32, #tpu.memory_space<hbm>>
    %dma_wait3A_150 = arith.constant 0 : i32
    %dma_wait3A_151 = tpu.memref_slice %arg4[%dma_wait3A_146, %add3A_145, %dma_wait3A_150] : memref<4x4096x1024xf32, #tpu.memory_space<hbm>> -> memref<1x8x1024xf32, #tpu.memory_space<hbm>>
    %dma_wait3A_152 = tpu.memref_squeeze %dma_wait3A_151 : memref<1x8x1024xf32, #tpu.memory_space<hbm>> -> memref<8x1024xf32, #tpu.memory_space<hbm>>
    tpu.wait_dma2 semaphore(%arg28 : memref<!tpu.dma_semaphore, #tpu.memory_space<semaphore_mem>>) src(%arg10 : memref<8x1024xf32, #tpu.memory_space<vmem>>) dst(%dma_wait3A_152 : memref<8x1024xf32, #tpu.memory_space<hbm>>)
    %add3A_153 = arith.constant 120 : i32
    %add3A_154 = arith.addi %mul3A_2, %add3A_153 : i32
    %dma_wait3A_155 = arith.constant 3 : i32
    %dma_wait3A_156 = arith.constant 0 : i32
    %dma_wait3A_157 = tpu.memref_slice %arg4[%dma_wait3A_155, %add3A_154, %dma_wait3A_156] : memref<4x4096x1024xf32, #tpu.memory_space<hbm>> -> memref<1x8x1024xf32, #tpu.memory_space<hbm>>
    %dma_wait3A_158 = tpu.memref_squeeze %dma_wait3A_157 : memref<1x8x1024xf32, #tpu.memory_space<hbm>> -> memref<8x1024xf32, #tpu.memory_space<hbm>>
    %dma_wait3A_159 = arith.constant 0 : i32
    %dma_wait3A_160 = tpu.memref_slice %arg4[%dma_wait3A_155, %add3A_154, %dma_wait3A_159] : memref<4x4096x1024xf32, #tpu.memory_space<hbm>> -> memref<1x8x1024xf32, #tpu.memory_space<hbm>>
    %dma_wait3A_161 = tpu.memref_squeeze %dma_wait3A_160 : memref<1x8x1024xf32, #tpu.memory_space<hbm>> -> memref<8x1024xf32, #tpu.memory_space<hbm>>
    tpu.wait_dma2 semaphore(%arg32 : memref<!tpu.dma_semaphore, #tpu.memory_space<semaphore_mem>>) src(%arg14 : memref<8x1024xf32, #tpu.memory_space<vmem>>) dst(%dma_wait3A_161 : memref<8x1024xf32, #tpu.memory_space<hbm>>)
    return
  }
}

</mosaic_0001>

<sc_bundles>
// kernel: kernel.3.cloned.1.call-start
scs
__scs_entry_jumppad:
0x0: {  	(pc) =	sbr.rel $0x88, $3  }
0x1: {  	(tag) =	ssettag $0x0;
	lr =	simm.s32 $0x1  }
0x2: {  	[smem:$0x3F9F] =	sst lr;
	_ =	strace $0xD0000000  }
0x3: {  	_ = 	snop  }
0x4: {  	_ = 	snop  }
0x5: {  	_ = 	snop  }
0x6: {  	_ = 	snop  }
0x7: {  	_ = 	snop  }
__scs_overlays_trampoline_lowered:
0x8: {  	[smem:$0x3FAE] =	sst s0  }
0x9: {  	[smem:$0x3FAF] =	sst s1  }
0xa: {  	[smem:$0x3FB0] =	sst s2  }
0xb: {  	[smem:$0x3FB1] =	sst s3  }
0xc: {  	[smem:$0x3FB2] =	sst s4  }
0xd: {  	[smem:$0x3FB3] =	sst s5  }
0xe: {  	[smem:$0x3FB4] =	sst s6  }
0xf: {  	[smem:$0x3FB5] =	sst s7  }
0x10: {  	[smem:$0x3FB6] =	sst s8  }
0x11: {  	[smem:$0x3FB7] =	sst s9;
	s0 =	simm.s32 @!p0 $0x0  }
0x12: {  	s1 =	sld [smem:$0x3F9D];
	s0 =	simm.s32 @p0 $0x1  }
0x13: {  	[smem:$0x3FB8] =	sst s0;
	s0 =	simm.s32 @!p1 $0x0  }
0x14: {  	s2 =	sld [smem:$0x3F9C];
	s0 =	simm.s32 @p1 $0x1  }
0x15: {  	[smem:$0x3FB9] =	sst s0;
	s0 =	simm.s32 @!p2 $0x0  }
0x16: {  	s3 =	sld [smem:$0x3FDB];
	s0 =	simm.s32 @p2 $0x1  }
0x17: {  	s4 =	simm.s32 $0x1BF5;
	[smem:$0x3FBB] =	sst s0  }
0x18: {  	s0 =	sld [smem:$0x3F9E];
	_ =	swait.ge [sflag:s4], $0x0  }
0x19: {  	s7 =	sld [smem:$0x3F9F]  }
0x1a: {  	s8 =	sadd.s32 $0xFFFFE003, lr  }
0x1b: {  	s9 =	sadd.s32 $0xFFFFFEF7, lr;
	s5 =	simm.s32 $0xFFFFFFFF;
	p2 =	slt.u32 s8, $0xFFFFF086  }
0x1c: {  	p1 =	slt.u32 s9, $0xF7A;
	s5 =	simm.s32 @!p2 $0x0  }
0x1d: {  	s5 =	simm.s32 @p1 $0x1;
	p0 =	seq.s32 s7, s2  }
0x1e: {  	s7 =	smul.u32 @!p0 $0xF7A, s2;
	p2 =	seq.s32 @!p0 s5, $0x0  }
0x1f: {  	s9 =	smul.u32 $0xF7A, s1;
	s8 =	simm.s32 @!p0 $0x1BF5;
	p2 =	por !p2, p0  }
0x20: {  	[sflag:s8] =	ssyncset.s32 @!p0 $0xFFFFF086;
	s6 =	sadd.s32 @!p0 s3, s7;
	s7 =	simm.s32 @!p0 $0x108  }
0x21: {  	s3 =	sadd.s32 s3, s9;
	s6 =	sadd.s32 @!p0 $0x88, s6;
	s7 =	simm.s32 @p2 $0x1082  }
0x22: {  	[simem:s7], [sflag:s8] =	dma.local @!p0 [hbm:s6], $0xF7A  }
0x23: {  	s9 =	sor.u32 $0xD0000000, s2;
	s6 =	simm.s32 $0x108;
	_ =	swait.ge @!p0 [sflag:s8], $0x0  }
0x24: {  	s3 =	sadd.s32 $0x88, s3;
	s6 =	simm.s32 @!p1 $0x1082;
	[sflag:s4] =	ssyncset.s32 $0xFFFFF086  }
0x25: {  	[simem:s6], [sflag:s4] =	dma.local [hbm:s3], $0xF7A  }
0x26: {  	[smem:$0x3F9F] =	sst s1;
	(tag) =	ssettag s2;
	_ =	strace s9  }
0x27: {  	s1 =	sld [smem:$0x3FAF]  }
0x28: {  	s2 =	sld [smem:$0x3FB0]  }
0x29: {  	s4 =	sld [smem:$0x3FB2]  }
0x2a: {  	p0 =	seq.s32 s5, $0x0;
	s5 =	sld [smem:$0x3FB3]  }
0x2b: {  	s6 =	sld [smem:$0x3FB4]  }
0x2c: {  	s7 =	sld [smem:$0x3FB5]  }
0x2d: {  	s3 =	simm.s32 $0x108;
	s8 =	sld [smem:$0x3FB6]  }
0x2e: {  	s3 =	simm.s32 @!p0 $0x1082;
	s9 =	sld [smem:$0x3FB7]  }
0x2f: {  	lr =	sadd.s32 s0, s3;
	s0 =	sld [smem:$0x3FAE]  }
0x30: {  	s3 =	sld [smem:$0x3FB1]  }
0x31: {  	[smem:$0x3FBA] =	sst s10  }
0x32: {  	s10 =	sld [smem:$0x3FB8];
	_ =	sdelay $0x3  }
0x33: {  	p0 =	seq.s32 s10, $0x1;
	s10 =	sld [smem:$0x3FBA];
	_ =	sdelay $0x3  }
0x34: {  	[smem:$0x3FBA] =	sst s10  }
0x35: {  	s10 =	sld [smem:$0x3FB9];
	_ =	sdelay $0x3  }
0x36: {  	p1 =	seq.s32 s10, $0x1;
	s10 =	sld [smem:$0x3FBA];
	_ =	sdelay $0x3  }
0x37: {  	[smem:$0x3FBA] =	sst s10  }
0x38: {  	s10 =	sld [smem:$0x3FBB]  }
0x39: {  	_ = 	snop;
	(pc) =	sbr.ind lr, $3  }
0x3a: {  	_ = 	snop  }
0x3b: {  	_ = 	snop  }
0x3c: {  	p2 =	seq.s32 s10, $0x1;
	s10 =	sld [smem:$0x3FBA]  }
0x3d: {  	_ =	shalt  }
0x3e: {  	_ =	shalt  }
0x3f: {  	_ =	shalt  }
0x40: {  	_ =	shalt  }
0x41: {  	_ =	shalt  }
0x42: {  	_ =	shalt  }
0x43: {  	_ =	shalt  }
0x44: {  	_ =	shalt  }
0x45: {  	_ =	shalt  }
0x46: {  	_ =	shalt  }
0x47: {  	_ =	shalt  }
0x48: {  	_ =	shalt  }
0x49: {  	_ =	shalt  }
0x4a: {  	_ =	shalt  }
0x4b: {  	_ =	shalt  }
0x4c: {  	_ =	shalt  }
0x4d: {  	_ =	shalt  }
0x4e: {  	_ =	shalt  }
0x4f: {  	_ =	shalt  }
0x50: {  	_ =	shalt  }
0x51: {  	_ =	shalt  }
0x52: {  	_ =	shalt  }
0x53: {  	_ =	shalt  }
0x54: {  	_ =	shalt  }
0x55: {  	_ =	shalt  }
0x56: {  	_ =	shalt  }
0x57: {  	_ =	shalt  }
0x58: {  	_ =	shalt  }
0x59: {  	_ =	shalt  }
0x5a: {  	_ =	shalt  }
0x5b: {  	_ =	shalt  }
0x5c: {  	_ =	shalt  }
0x5d: {  	_ =	shalt  }
0x5e: {  	_ =	shalt  }
0x5f: {  	_ =	shalt  }
0x60: {  	_ =	shalt  }
0x61: {  	_ =	shalt  }
0x62: {  	_ =	shalt  }
0x63: {  	_ =	shalt  }
0x64: {  	_ =	shalt  }
0x65: {  	_ =	shalt  }
0x66: {  	_ =	shalt  }
0x67: {  	_ =	shalt  }
0x68: {  	_ =	shalt  }
0x69: {  	_ =	shalt  }
0x6a: {  	_ =	shalt  }
0x6b: {  	_ =	shalt  }
0x6c: {  	_ =	shalt  }
0x6d: {  	_ =	shalt  }
0x6e: {  	_ =	shalt  }
0x6f: {  	_ =	shalt  }
0x70: {  	_ =	shalt  }
0x71: {  	_ =	shalt  }
0x72: {  	_ =	shalt  }
0x73: {  	_ =	shalt  }
0x74: {  	_ =	shalt  }
0x75: {  	_ =	shalt  }
0x76: {  	_ =	shalt  }
0x77: {  	_ =	shalt  }
0x78: {  	_ =	shalt  }
0x79: {  	_ =	shalt  }
0x7a: {  	_ =	shalt  }
0x7b: {  	_ =	shalt  }
0x7c: {  	_ =	shalt  }
0x7d: {  	_ =	shalt  }
0x7e: {  	_ =	shalt  }
0x7f: {  	_ =	shalt  }
0x80: {  	_ =	shalt  }
0x81: {  	_ =	shalt  }
0x82: {  	_ =	shalt  }
0x83: {  	_ =	shalt  }
0x84: {  	_ =	shalt  }
0x85: {  	_ =	shalt  }
0x86: {  	_ =	shalt  }
0x87: {  	_ =	shalt  }
.Lfunc_end0:
.L_simem_size_0:
called_computation_lowered:
.L_overlay_start_0:
0x88: {  	s2 =	sld [smem:$0x3FD9]  }
0x89: {  	s3 =	sld [smem:$0x3FFE];
	_ =	sdelay $0x1  }
0x8a: {  	s1 =	srdreg.scid  }
0x8b: {  	s0 =	sand.u32 $0x1, s1  }
0x8c: {  	s18 =	sshll.u32 s0, $0xA;
	s2 =	sadd.s32 s3, s2  }
0x8d: {  	s2 =	sadd.s32 s2, s18  }
0x8e: {  	[smem:$0x3FC6] =	sst s2  }
0x8f: {  	_ = 	snop  }
0x90: {  	s2 =	sld [smem:$0x3FC9]  }
0x91: {  	s19 =	sld [smem:$0x3FC8]  }
0x92: {  	s4 =	sld [smem:$0x3FD0];
	(tm) =	ssettm $0x1  }
0x93: {  	s5 =	sld [smem:$0x3FFB];
	_ =	sdelay $0x3  }
0x94: {  	_ =	strace s5  }
0x95: {  	s5 =	sld [smem:$0x3FFC];
	_ =	sdelay $0x3  }
0x96: {  	_ =	strace s5  }
0x97: {  	s5 =	sld [smem:$0x3FFD];
	_ =	sdelay $0x3  }
0x98: {  	_ =	strace s5  }
0x99: {  	_ =	strace $0x8FFFFFFF  }
0x9a: {  	s20 =	sld [smem:$0x3FDB];
	_ =	sdelay $0x1  }
0x9b: {  	s6 =	simm.s32 $_scs_section_size  }
0x9c: {  	s7 =	simm.s32 $_size__tile_overlayer_lowered;
	s8 =	simm.s32 $_tile_overlayer_lowered  }
0x9d: {  	s23 =	simm.s32 $0x1BFF;
	s22 =	sshll.u32 s8, $0x1;
	s5 =	sadd.s32 s6, s20  }
0x9e: {  	s9 =	simm.s32 $0x0;
	s21 =	sshll.u32 s7, $0x1;
	s7 =	sadd.s32 s22, s5  }
0x9f: {  	[timem:s9], [sflag:s23] =	dma.local [hbm:s7], s21  }
0xa0: {  	_ =	swait.ge [sflag:s23], s21  }
0xa1: {  	s6 =	ssub.s32 $0x0, s21;
	[sflag:s23] =	ssyncset.done $0x0  }
0xa2: {  	[sflag:s23] =	ssyncadd.s32 s6;
	_ =	sdelay $0x1  }
0xa3: {  	s24 =	simm.s32 $0x1B8B  }
0xa4: {  	_ =	swait.ge [sflag:s24], $0x1  }
0xa5: {  	[sflag:s24] =	ssyncset.done $0x0  }
0xa6: {  	s25 =	simm.s32 $0x1B8E;
	[sflag:s24] =	ssyncadd.s32 $0xFFFFFFFF  }
0xa7: {  	s26 =	simm.s32 $execute0_lowered;
	[smem:$0x3FD2] =	sst s25  }
0xa8: {  	s6 =	sshll.u32 s26, $0x1;
	_ =	strace $0x80000046;
	[dreg:$0x1] =	wrdreg $0xFFFFFFFF  }
0xa9: {  	s28 =	simm.s32 $_size_execute0_lowered;
	s5 =	sadd.s32 s5, s6;
	[dreg:$0x0] =	wrdreg $0x0  }
0xaa: {  	s6 =	sshll.u32 s28, $0x1;
	[dreg:$0x2] =	wrdreg s5  }
0xab: {  	[dreg:$0x3] =	wrdreg s6  }
0xac: {  	[dreg:$0x4] =	wrdreg $0xC0  }
0xad: {  	_ =	task [dreg:s9], $0x5FFFF  }
0xae: {  	[dreg:$0x1] =	wrdreg $0xFFFFFFFF  }
0xaf: {  	[dreg:$0x0] =	wrdreg $0x60  }
0xb0: {  	[dreg:$0x2] =	wrdreg s2  }
0xb1: {  	[dreg:$0x3] =	wrdreg s19  }
0xb2: {  	[dreg:$0x4] =	wrdreg s4  }
0xb3: {  	[dreg:$0x5] =	wrdreg $0x9  }
0xb4: {  	_ =	task.clear_ibuf [dreg:s9], $0x6FFFF;
	_ =	strace $0x90000046  }
0xb5: {  	s29 =	simm.s32 $0x9;
	_ =	strace $0x80000048  }
0xb6: {  	_ =	swait.ge [sflag:s29], $0x1  }
0xb7: {  	[sflag:s29] =	ssyncadd.s32 $0xFFFFFFFF  }
0xb8: {  	_ =	strace $0x90000048  }
0xb9: {  	_ =	sfence  }
0xba: {  	s30 =	sld [smem:$0x0];
	_ =	sdelay $0x2  }
0xbb: {  	s31 =	sshll.u32 s1, $0xD;
	s1 =	sshrl.u32 s1, $0x2  }
0xbc: {  	s3 =	sand.u32 $0x4000, s31;
	s1 =	sadd.s32 s1, s30  }
0xbd: {  	s0 =	sor.u32 s3, s0;
	s1 =	sshll.u32 s1, $0x11  }
0xbe: {  	s0 =	sor.u32 s1, s0  }
0xbf: {  	s0 =	sadd.s32 $0x8F2B, s0  }
0xc0: {  	[sflag:s0] =	ssyncadd.remote.s32 $0x1  }
0xc1: {  	_ =	sfence.sel $0xFFFF  }
0xc2: {  	[dreg:$0x0] =	wrdreg $0xFFFFFFFF;
	(pc) =	sbr.abs _section_cstart, $3  }
0xc3: {  	[dreg:$0x1] =	wrdreg $0xFFFFFFFF  }
0xc4: {  	_ =	task.clear_ibuf [dreg:s9], $0x2FFFF;
	_ =	strace $0x9FFFFFFF  }
0xc5: {  	(tm) =	ssettm $0x7FFFFFFF  }
tec
execute0_lowered:
.L_overlay_start_1:
0x0: {  	(tag) =	ssettag $0x1  }
0x1: {  	s6 =	rddreg [dreg:$0x0]  }
0x2: {  	s0 =	srdreg.scid;
	s7 =	rddreg [dreg:$0x1]  }
0x3: {  	s1 =	stileid.u32;
	s4 =	rddreg [dreg:$0x2]  }
0x4: {  	s5 =	simm.s32 $0x0;
	s15 =	simm.s32 $0x5;
	s16 =	simm.s32 $0x6  }
0x5: {  	s0 =	sand.u32 $0x1, s0;
	s1 =	sshll.u32 s1, $0x8;
	[smem:$0x7FF] =	sst s5  }
0x6: {  	s29 =	sadd.s32 $0x80000, s4;
	s30 =	sadd.s32 $0x100000, s4;
	s2 =	sshll.u32 s0, $0x7  }
0x7: {  	_ =	strace $0x80000047;
	[dreg:$0xf] =	wrdreg s29;
	s1 =	sor.u32 s2, s1  }
0x8: {  	s10 =	sadd.s32 $0x80000, s6;
	[dreg:$0x10] =	wrdreg s30;
	s8 =	sshll.u32 s1, $0x7  }
0x9: {  	s11 =	sadd.s32 $0x100000, s6;
	s20 =	sadd.s32 s7, s8;
	[dreg:$0x4] =	wrdreg s8  }
0xa: {  	s14 =	sadd.s32 $0x180000, s6;
	s23 =	sadd.s32 s8, s10;
	[dreg:$0x5] =	wrdreg s20  }
0xb: {  	s0 =	ssub.s32 $0x2, s0;
	s24 =	sadd.s32 s8, s11;
	[dreg:$0x8] =	wrdreg s23  }
0xc: {  	s19 =	sshrl.u32 s0, $0x1;
	s25 =	sadd.s32 s8, s14;
	[dreg:$0x9] =	wrdreg s24  }
0xd: {  	s0 =	ssub.s32 s0, s19;
	s22 =	sadd.s32 s6, s8;
	[dreg:$0xa] =	wrdreg s25  }
0xe: {  	s3 =	sor.u32 $0x400, s8;
	s0 =	smax.u32 s0, $0x1;
	[dreg:$0x7] =	wrdreg s22  }
0xf: {  	s17 =	simm.s32 $0x2;
	s21 =	sadd.s32 s7, s3;
	[dreg:$0x12] =	wrdreg s0  }
0x10: {  	s18 =	simm.s32 $0x7;
	s3 =	sadd.s32 s6, s3;
	[dreg:$0x6] =	wrdreg s21  }
0x11: {  	s9 =	simm.s32 $0xA;
	s26 =	sadd.s32 $0x80400, s22;
	[dreg:$0xb] =	wrdreg s3  }
0x12: {  	s19 =	simm.s32 $0x8;
	s28 =	sadd.s32 $0x100400, s22;
	[dreg:$0xc] =	wrdreg s26  }
0x13: {  	s2 =	sadd.s32 $0x180400, s22;
	s20 =	sshrl.u32 s1, $0x3;
	[dreg:$0xd] =	wrdreg s28  }
0x14: {  	s23 =	sadd.s32 $0x180000, s4;
	[dreg:$0xe] =	wrdreg s2;
	s31 =	sor.u32 $0x3, s20  }
0x15: {  	s25 =	simm.s32 $0x9;
	s2 =	simm.s32 $0x0;
	[dreg:$0x11] =	wrdreg s31  }
.LBB2_1:
0x16: {  	[dreg:$0x13] =	wrdreg s2  }
0x17: {  	s0 =	rddreg [dreg:$0x5]  }
0x18: {  	[tilespmem:s5], [sflag:$0x1] =	stream.linear.gather [hbm4b:s0+s5], $0x2000, $0x38;
	[tilespmem:$0x14000] =	vst v63  }
0x19: {  	s29 =	rddreg [dreg:$0x6];
	s1 =	simm.s32 $0x2000  }
0x1a: {  	[tilespmem:s1], [sflag:$0x2] =	stream.linear.gather [hbm4b:s29+s5], $0x2000, $0x38;
	[tilespmem:$0x14000] =	vst v63  }
0x1b: {  	s30 =	rddreg [dreg:$0x7];
	s31 =	simm.s32 $0x4000  }
0x1c: {  	[tilespmem:s31], [sflag:$0x3] =	stream.linear.gather [hbm4b:s30+s5], $0x2000, $0x38;
	[tilespmem:$0x14000] =	vst v63  }
0x1d: {  	s2 =	rddreg [dreg:$0x8];
	s3 =	simm.s32 $0x6000  }
0x1e: {  	[tilespmem:s3], [sflag:$0x4] =	stream.linear.gather [hbm4b:s2+s5], $0x2000, $0x38;
	[tilespmem:$0x14000] =	vst v63  }
0x1f: {  	s6 =	rddreg [dreg:$0x9];
	s7 =	simm.s32 $0x8000  }
0x20: {  	[tilespmem:s7], [sflag:$0x5] =	stream.linear.gather [hbm4b:s6+s5], $0x2000, $0x38;
	[tilespmem:$0x14000] =	vst v63  }
0x21: {  	s8 =	rddreg [dreg:$0xa];
	s12 =	simm.s32 $0xA000  }
0x22: {  	[tilespmem:s12], [sflag:$0x6] =	stream.linear.gather [hbm4b:s8+s5], $0x2000, $0x38;
	[tilespmem:$0x14000] =	vst v63  }
0x23: {  	s13 =	rddreg [dreg:$0xb];
	s21 =	simm.s32 $0xC000  }
0x24: {  	[tilespmem:s21], [sflag:$0x7] =	stream.linear.gather [hbm4b:s13+s5], $0x2000, $0x38;
	[tilespmem:$0x14000] =	vst v63  }
0x25: {  	s22 =	rddreg [dreg:$0xc];
	s24 =	simm.s32 $0xE000  }
0x26: {  	[tilespmem:s24], [sflag:$0x8] =	stream.linear.gather [hbm4b:s22+s5], $0x2000, $0x38;
	[tilespmem:$0x14000] =	vst v63  }
0x27: {  	s26 =	rddreg [dreg:$0xd];
	s29 =	simm.s32 $0x10000  }
0x28: {  	[tilespmem:s29], [sflag:$0x9] =	stream.linear.gather [hbm4b:s26+s5], $0x2000, $0x38;
	[tilespmem:$0x14000] =	vst v63  }
0x29: {  	s28 =	simm.s32 $0x0;
	s30 =	rddreg [dreg:$0xe];
	s31 =	simm.s32 $0x12000  }
0x2a: {  	[tilespmem:s31], [sflag:$0xA] =	stream.linear.gather [hbm4b:s30+s5], $0x2000, $0x38;
	[tilespmem:$0x14000] =	vst v63  }
.LBB2_2:
0x2b: {  	s0 =	simm.s32 $0x1  }
0x2c: {  	_ =	swait.ge [sflag:s0], $0x2000  }
0x2d: {  	[sflag:s0] =	ssyncset.done $0x0  }
0x2e: {  	s3 =	simm.s32 $0x3;
	[sflag:s0] =	ssyncadd.s32 $0xFFFFE000;
	s0 =	simm.s32 $0x0  }
0x2f: {  	_ =	swait.ge [sflag:s3], $0x2000;
	s1 =	sand.u32 $0x1C00, s0  }
0x30: {  	[sflag:s3] =	ssyncset.done $0x0;
	s2 =	sor.u32 s1, s0  }
0x31: {  	s30 =	sand.u32 $0x380, s0;
	[sflag:s3] =	ssyncadd.s32 $0xFFFFE000;
	s2 =	sor.u32 $0x70, s2  }
0x32: {  	s3 =	sor.u32 s30, s1;
	v0 =	vld [tilespmem:s2+$0x0]  }
0x33: {  	v3 =	vld [tilespmem:s3+$0x0]  }
0x34: {  	v4 =	vld [tilespmem:s3+$0x10]  }
0x35: {  	v5 =	vld [tilespmem:s3+$0x20]  }
0x36: {  	v6 =	vld [tilespmem:s3+$0x30]  }
0x37: {  	v2 =	vld [tilespmem:s3+$0x40]  }
0x38: {  	v1 =	vld [tilespmem:s3+$0x50]  }
0x39: {  	[tilespmem:s2+$0x4000] =	vst.add.f32.msk $0xffff, v0  }
0x3a: {  	s1 =	sor.u32 $0x4000, s3;
	v0 =	vld [tilespmem:s3+$0x60]  }
0x3b: {  	s31 =	sor.u32 $0x4010, s3;
	[tilespmem:s1+$0x0] =	vst.add.f32.msk $0xffff, v3  }
0x3c: {  	s6 =	sor.u32 $0x4020, s3;
	[tilespmem:s31+$0x0] =	vst.add.f32.msk $0xffff, v4  }
0x3d: {  	s26 =	sor.u32 $0x4030, s3;
	s29 =	sor.u32 $0x4050, s3;
	s7 =	sor.u32 $0x4060, s3;
	[tilespmem:s6+$0x0] =	vst.add.f32.msk $0xffff, v5  }
0x3e: {  	s2 =	simm.s32 $0x0;
	s1 =	sor.u32 $0x4040, s3;
	[tilespmem:s26+$0x0] =	vst.add.f32.msk $0xffff, v6;
	s26 =	simm.s32 $0x400  }
.LBB2_3:
0x3f: {  	s3 =	sand.u32 $0x1C00, s26;
	s2 =	sadd.s32 $0x8, s2;
	[tilespmem:s1+$0x0] =	vst.add.f32.msk $0xffff, v2;
	s0 =	sadd.s32 $0x10, s0  }
0x40: {  	s1 =	sand.u32 $0x380, s0;
	s6 =	sor.u32 s3, s0;
	p0 =	slt.u32 s2, $0x1F8;
	[tilespmem:s29+$0x0] =	vst.add.f32.msk $0xffff, v1  }
0x41: {  	s3 =	sor.u32 s1, s3;
	s6 =	sor.u32 $0x70, s6;
	[tilespmem:s7+$0x0] =	vst.add.f32.msk $0xffff, v0  }
0x42: {  	s30 =	sor.u32 $0x4000, s3;
	s31 =	sor.u32 $0x4010, s3;
	s21 =	sor.u32 $0x4020, s3;
	v0 =	vld [tilespmem:s6+$0x0]  }
0x43: {  	s22 =	sor.u32 $0x4030, s3;
	s1 =	sor.u32 $0x4040, s3;
	s29 =	sor.u32 $0x4050, s3;
	v3 =	vld [tilespmem:s3+$0x0]  }
0x44: {  	s7 =	sor.u32 $0x4060, s3;
	v4 =	vld [tilespmem:s3+$0x10]  }
0x45: {  	v5 =	vld [tilespmem:s3+$0x20]  }
0x46: {  	v6 =	vld [tilespmem:s3+$0x30]  }
0x47: {  	[tilespmem:s6+$0x4000] =	vst.add.f32.msk $0xffff, v0  }
0x48: {  	v2 =	vld [tilespmem:s3+$0x40]  }
0x49: {  	v1 =	vld [tilespmem:s3+$0x50]  }
.Ltmp0:
0x4a: {  	v0 =	vld [tilespmem:s3+$0x60];
	(pc) =	sbr.rel @p0 .LBB2_3-.Ltmp0, $4  }
0x4b: {  	[tilespmem:s30+$0x0] =	vst.add.f32.msk $0xffff, v3  }
0x4c: {  	[tilespmem:s31+$0x0] =	vst.add.f32.msk $0xffff, v4  }
0x4d: {  	[tilespmem:s21+$0x0] =	vst.add.f32.msk $0xffff, v5  }
0x4e: {  	s26 =	sadd.s32 $0x400, s26;
	[tilespmem:s22+$0x0] =	vst.add.f32.msk $0xffff, v6  }
0x4f: {  	[tilespmem:s1+$0x0] =	vst.add.f32.msk $0xffff, v2  }
0x50: {  	[tilespmem:s29+$0x0] =	vst.add.f32.msk $0xffff, v1  }
0x51: {  	s0 =	sshll.u32 s28, $0xB;
	s1 =	rddreg [dreg:$0x4]  }
0x52: {  	s31 =	sadd.s32 s1, s0  }
0x53: {  	s6 =	simm.s32 $0x4000;
	p1 =	seq.s32 s28, $0x0;
	[tilespmem:s7+$0x0] =	vst.add.f32.msk $0xffff, v0;
	s0 =	sadd.s32 s4, s31  }
0x54: {  	[hbm4b:s0+s5] =	stream.linear.scatter [tilespmem:s6], [sflag:$0xB], $0x2000, $0x38;
	[tilespmem:$0x14000] =	vst v63  }
0x55: {  	s0 =	simm.s32 @!p1 $0xF  }
0x56: {  	_ =	swait.ge @!p1 [sflag:s0], $0x2000  }
0x57: {  	s30 =	sshllo.u32 s28, $0x1;
	[sflag:s0] =	ssyncset.done @!p1 $0x0  }
0x58: {  	s1 =	sadd.s32 @!p1 s20, s30;
	[sflag:s0] =	ssyncadd.s32 @!p1 $0xFFFFE000  }
0x59: {  	s2 =	sshll.u32 @!p1 s1, $0xA;
	s0 =	rddreg [dreg:$0x0]  }
0x5a: {  	s3 =	simm.s32 @!p1 $0xC000;
	s1 =	simm.s32 @!p1 $0x0;
	s0 =	sadd.s32 @!p1 s0, s2  }
0x5b: {  	[tilespmem:s3], [sflag:$0x7] =	stream.linear.gather @!p1 [hbm4b:s0+s1], $0x2000, $0x38;
	[tilespmem:$0x14000] =	vst v63  }
0x5c: {  	s6 =	simm.s32 $0x4;
	s0 =	simm.s32 $0x0  }
0x5d: {  	_ =	swait.ge [sflag:s6], $0x2000;
	s7 =	sand.u32 $0x1C00, s0  }
0x5e: {  	[sflag:s6] =	ssyncset.done $0x0;
	s8 =	sor.u32 s7, s0  }
0x5f: {  	s12 =	sand.u32 $0x380, s0;
	[sflag:s6] =	ssyncadd.s32 $0xFFFFE000;
	s3 =	sor.u32 $0x70, s8  }
0x60: {  	s13 =	sor.u32 s12, s7;
	v0 =	vld [tilespmem:s3+$0x0]  }
0x61: {  	v3 =	vld [tilespmem:s13+$0x0]  }
0x62: {  	v4 =	vld [tilespmem:s13+$0x10]  }
0x63: {  	v5 =	vld [tilespmem:s13+$0x20]  }
0x64: {  	v6 =	vld [tilespmem:s13+$0x30]  }
0x65: {  	v2 =	vld [tilespmem:s13+$0x40]  }
0x66: {  	v1 =	vld [tilespmem:s13+$0x50]  }
0x67: {  	[tilespmem:s3+$0x6000] =	vst.add.f32.msk $0xffff, v0  }
0x68: {  	s1 =	sor.u32 $0x6000, s13;
	v0 =	vld [tilespmem:s13+$0x60]  }
0x69: {  	s22 =	sor.u32 $0x6010, s13;
	[tilespmem:s1+$0x0] =	vst.add.f32.msk $0xffff, v3  }
0x6a: {  	s29 =	sshll.u32 s28, $0x1;
	s24 =	sor.u32 $0x6020, s13;
	[tilespmem:s22+$0x0] =	vst.add.f32.msk $0xffff, v4  }
0x6b: {  	s26 =	simm.s32 $0x0;
	s7 =	simm.s32 $0x400;
	s21 =	sor.u32 $0x6030, s13;
	[tilespmem:s24+$0x0] =	vst.add.f32.msk $0xffff, v5  }
0x6c: {  	s6 =	sor.u32 $0x6040, s13;
	s1 =	sor.u32 $0x6050, s13;
	s3 =	sor.u32 $0x6060, s13;
	[tilespmem:s21+$0x0] =	vst.add.f32.msk $0xffff, v6  }
.LBB2_5:
0x6d: {  	s21 =	sand.u32 $0x1C00, s7;
	s26 =	sadd.s32 $0x8, s26;
	[tilespmem:s6+$0x0] =	vst.add.f32.msk $0xffff, v2;
	s0 =	sadd.s32 $0x10, s0  }
0x6e: {  	s6 =	sand.u32 $0x380, s0;
	s22 =	sor.u32 s21, s0;
	p0 =	slt.u32 s26, $0x1F8;
	[tilespmem:s1+$0x0] =	vst.add.f32.msk $0xffff, v1  }
0x6f: {  	s21 =	sor.u32 s6, s21;
	s22 =	sor.u32 $0x70, s22;
	[tilespmem:s3+$0x0] =	vst.add.f32.msk $0xffff, v0  }
0x70: {  	s24 =	sor.u32 $0x6000, s21;
	s8 =	sor.u32 $0x6010, s21;
	s12 =	sor.u32 $0x6020, s21;
	v0 =	vld [tilespmem:s22+$0x0]  }
0x71: {  	s13 =	sor.u32 $0x6030, s21;
	s6 =	sor.u32 $0x6040, s21;
	s1 =	sor.u32 $0x6050, s21;
	v3 =	vld [tilespmem:s21+$0x0]  }
0x72: {  	s3 =	sor.u32 $0x6060, s21;
	v4 =	vld [tilespmem:s21+$0x10]  }
0x73: {  	v5 =	vld [tilespmem:s21+$0x20]  }
0x74: {  	v6 =	vld [tilespmem:s21+$0x30]  }
0x75: {  	[tilespmem:s22+$0x6000] =	vst.add.f32.msk $0xffff, v0  }
0x76: {  	v2 =	vld [tilespmem:s21+$0x40]  }
0x77: {  	v1 =	vld [tilespmem:s21+$0x50]  }
.Ltmp1:
0x78: {  	v0 =	vld [tilespmem:s21+$0x60];
	(pc) =	sbr.rel @p0 .LBB2_5-.Ltmp1, $4  }
0x79: {  	[tilespmem:s24+$0x0] =	vst.add.f32.msk $0xffff, v3  }
0x7a: {  	[tilespmem:s8+$0x0] =	vst.add.f32.msk $0xffff, v4  }
0x7b: {  	[tilespmem:s12+$0x0] =	vst.add.f32.msk $0xffff, v5  }
0x7c: {  	s7 =	sadd.s32 $0x400, s7;
	[tilespmem:s13+$0x0] =	vst.add.f32.msk $0xffff, v6  }
0x7d: {  	[tilespmem:s6+$0x0] =	vst.add.f32.msk $0xffff, v2  }
0x7e: {  	[tilespmem:s1+$0x0] =	vst.add.f32.msk $0xffff, v1  }
0x7f: {  	[tilespmem:s3+$0x0] =	vst.add.f32.msk $0xffff, v0  }
0x80: {  	s0 =	rddreg [dreg:$0xf]  }
0x81: {  	s8 =	simm.s32 $0x6000;
	s0 =	sadd.s32 s31, s0  }
0x82: {  	[hbm4b:s0+s5] =	stream.linear.scatter [tilespmem:s8], [sflag:$0xC], $0x2000, $0x38;
	[tilespmem:$0x14000] =	vst v63  }
0x83: {  	s0 =	simm.s32 @!p1 $0x10  }
0x84: {  	_ =	swait.ge @!p1 [sflag:s0], $0x2000  }
0x85: {  	s1 =	simm.s32 @!p1 $0x0;
	[sflag:s0] =	ssyncset.done @!p1 $0x0  }
0x86: {  	s3 =	simm.s32 @!p1 $0xE000;
	[sflag:s0] =	ssyncadd.s32 @!p1 $0xFFFFE000;
	s0 =	sadd.s32 @!p1 s2, s10  }
0x87: {  	[tilespmem:s3], [sflag:$0x8] =	stream.linear.gather @!p1 [hbm4b:s0+s1], $0x2000, $0x38;
	[tilespmem:$0x14000] =	vst v63  }
0x88: {  	s0 =	simm.s32 $0x0  }
0x89: {  	_ =	swait.ge [sflag:s15], $0x2000;
	s12 =	sand.u32 $0x1C00, s0  }
0x8a: {  	[sflag:s15] =	ssyncset.done $0x0;
	s13 =	sor.u32 s12, s0  }
0x8b: {  	s21 =	sand.u32 $0x380, s0;
	[sflag:s15] =	ssyncadd.s32 $0xFFFFE000;
	s3 =	sor.u32 $0x70, s13  }
0x8c: {  	s7 =	sor.u32 s21, s12;
	v0 =	vld [tilespmem:s3+$0x0]  }
0x8d: {  	v3 =	vld [tilespmem:s7+$0x0]  }
0x8e: {  	v4 =	vld [tilespmem:s7+$0x10]  }
0x8f: {  	v5 =	vld [tilespmem:s7+$0x20]  }
0x90: {  	v6 =	vld [tilespmem:s7+$0x30]  }
0x91: {  	v2 =	vld [tilespmem:s7+$0x40]  }
0x92: {  	v1 =	vld [tilespmem:s7+$0x50]  }
0x93: {  	[tilespmem:s3+$0x8000] =	vst.add.f32.msk $0xffff, v0  }
0x94: {  	s1 =	sor.u32 $0x8000, s7;
	v0 =	vld [tilespmem:s7+$0x60]  }
0x95: {  	s22 =	sor.u32 $0x8010, s7;
	[tilespmem:s1+$0x0] =	vst.add.f32.msk $0xffff, v3  }
0x96: {  	s24 =	sor.u32 $0x8020, s7;
	[tilespmem:s22+$0x0] =	vst.add.f32.msk $0xffff, v4  }
0x97: {  	s26 =	simm.s32 $0x0;
	s8 =	sor.u32 $0x8030, s7;
	s6 =	sor.u32 $0x8040, s7;
	[tilespmem:s24+$0x0] =	vst.add.f32.msk $0xffff, v5  }
0x98: {  	s1 =	sor.u32 $0x8050, s7;
	s3 =	sor.u32 $0x8060, s7;
	[tilespmem:s8+$0x0] =	vst.add.f32.msk $0xffff, v6;
	s7 =	simm.s32 $0x400  }
.LBB2_7:
0x99: {  	s8 =	sand.u32 $0x1C00, s7;
	s26 =	sadd.s32 $0x8, s26;
	[tilespmem:s6+$0x0] =	vst.add.f32.msk $0xffff, v2;
	s0 =	sadd.s32 $0x10, s0  }
0x9a: {  	s6 =	sand.u32 $0x380, s0;
	s12 =	sor.u32 s8, s0;
	p0 =	slt.u32 s26, $0x1F8;
	[tilespmem:s1+$0x0] =	vst.add.f32.msk $0xffff, v1  }
0x9b: {  	s8 =	sor.u32 s6, s8;
	s12 =	sor.u32 $0x70, s12;
	[tilespmem:s3+$0x0] =	vst.add.f32.msk $0xffff, v0  }
0x9c: {  	s13 =	sor.u32 $0x8000, s8;
	s21 =	sor.u32 $0x8010, s8;
	s22 =	sor.u32 $0x8020, s8;
	v0 =	vld [tilespmem:s12+$0x0]  }
0x9d: {  	s24 =	sor.u32 $0x8030, s8;
	s6 =	sor.u32 $0x8040, s8;
	s1 =	sor.u32 $0x8050, s8;
	v3 =	vld [tilespmem:s8+$0x0]  }
0x9e: {  	s3 =	sor.u32 $0x8060, s8;
	v4 =	vld [tilespmem:s8+$0x10]  }
0x9f: {  	v5 =	vld [tilespmem:s8+$0x20]  }
0xa0: {  	v6 =	vld [tilespmem:s8+$0x30]  }
0xa1: {  	[tilespmem:s12+$0x8000] =	vst.add.f32.msk $0xffff, v0  }
0xa2: {  	v2 =	vld [tilespmem:s8+$0x40]  }
0xa3: {  	v1 =	vld [tilespmem:s8+$0x50]  }
.Ltmp2:
0xa4: {  	v0 =	vld [tilespmem:s8+$0x60];
	(pc) =	sbr.rel @p0 .LBB2_7-.Ltmp2, $4  }
0xa5: {  	[tilespmem:s13+$0x0] =	vst.add.f32.msk $0xffff, v3  }
0xa6: {  	[tilespmem:s21+$0x0] =	vst.add.f32.msk $0xffff, v4  }
0xa7: {  	[tilespmem:s22+$0x0] =	vst.add.f32.msk $0xffff, v5  }
0xa8: {  	s7 =	sadd.s32 $0x400, s7;
	[tilespmem:s24+$0x0] =	vst.add.f32.msk $0xffff, v6  }
0xa9: {  	[tilespmem:s6+$0x0] =	vst.add.f32.msk $0xffff, v2  }
0xaa: {  	[tilespmem:s1+$0x0] =	vst.add.f32.msk $0xffff, v1  }
0xab: {  	[tilespmem:s3+$0x0] =	vst.add.f32.msk $0xffff, v0  }
0xac: {  	s0 =	rddreg [dreg:$0x10]  }
0xad: {  	s8 =	simm.s32 $0x8000;
	s0 =	sadd.s32 s31, s0  }
0xae: {  	[hbm4b:s0+s5] =	stream.linear.scatter [tilespmem:s8], [sflag:$0xD], $0x2000, $0x38;
	[tilespmem:$0x14000] =	vst v63  }
0xaf: {  	s0 =	simm.s32 @!p1 $0x11  }
0xb0: {  	_ =	swait.ge @!p1 [sflag:s0], $0x2000  }
0xb1: {  	s1 =	simm.s32 @!p1 $0x0;
	[sflag:s0] =	ssyncset.done @!p1 $0x0  }
0xb2: {  	s3 =	simm.s32 @!p1 $0x10000;
	[sflag:s0] =	ssyncadd.s32 @!p1 $0xFFFFE000;
	s0 =	sadd.s32 @!p1 s2, s11  }
0xb3: {  	[tilespmem:s3], [sflag:$0x9] =	stream.linear.gather @!p1 [hbm4b:s0+s1], $0x2000, $0x38;
	[tilespmem:$0x14000] =	vst v63  }
0xb4: {  	s0 =	simm.s32 $0x0  }
0xb5: {  	_ =	swait.ge [sflag:s16], $0x2000;
	s12 =	sand.u32 $0x1C00, s0  }
0xb6: {  	[sflag:s16] =	ssyncset.done $0x0;
	s13 =	sor.u32 s12, s0  }
0xb7: {  	s21 =	sand.u32 $0x380, s0;
	[sflag:s16] =	ssyncadd.s32 $0xFFFFE000;
	s3 =	sor.u32 $0x70, s13  }
0xb8: {  	s7 =	sor.u32 s21, s12;
	v0 =	vld [tilespmem:s3+$0x0]  }
0xb9: {  	v3 =	vld [tilespmem:s7+$0x0]  }
0xba: {  	v4 =	vld [tilespmem:s7+$0x10]  }
0xbb: {  	v5 =	vld [tilespmem:s7+$0x20]  }
0xbc: {  	v6 =	vld [tilespmem:s7+$0x30]  }
0xbd: {  	v2 =	vld [tilespmem:s7+$0x40]  }
0xbe: {  	v1 =	vld [tilespmem:s7+$0x50]  }
0xbf: {  	[tilespmem:s3+$0xA000] =	vst.add.f32.msk $0xffff, v0  }
0xc0: {  	s1 =	sor.u32 $0xA000, s7;
	v0 =	vld [tilespmem:s7+$0x60]  }
0xc1: {  	s22 =	sor.u32 $0xA010, s7;
	[tilespmem:s1+$0x0] =	vst.add.f32.msk $0xffff, v3  }
0xc2: {  	s24 =	sor.u32 $0xA020, s7;
	[tilespmem:s22+$0x0] =	vst.add.f32.msk $0xffff, v4  }
0xc3: {  	s26 =	simm.s32 $0x0;
	s8 =	sor.u32 $0xA030, s7;
	s6 =	sor.u32 $0xA040, s7;
	[tilespmem:s24+$0x0] =	vst.add.f32.msk $0xffff, v5  }
0xc4: {  	s1 =	sor.u32 $0xA050, s7;
	s3 =	sor.u32 $0xA060, s7;
	[tilespmem:s8+$0x0] =	vst.add.f32.msk $0xffff, v6;
	s7 =	simm.s32 $0x400  }
.LBB2_9:
0xc5: {  	s8 =	sand.u32 $0x1C00, s7;
	s26 =	sadd.s32 $0x8, s26;
	[tilespmem:s6+$0x0] =	vst.add.f32.msk $0xffff, v2;
	s0 =	sadd.s32 $0x10, s0  }
0xc6: {  	s6 =	sand.u32 $0x380, s0;
	s12 =	sor.u32 s8, s0;
	p0 =	slt.u32 s26, $0x1F8;
	[tilespmem:s1+$0x0] =	vst.add.f32.msk $0xffff, v1  }
0xc7: {  	s8 =	sor.u32 s6, s8;
	s12 =	sor.u32 $0x70, s12;
	[tilespmem:s3+$0x0] =	vst.add.f32.msk $0xffff, v0  }
0xc8: {  	s13 =	sor.u32 $0xA000, s8;
	s21 =	sor.u32 $0xA010, s8;
	s22 =	sor.u32 $0xA020, s8;
	v0 =	vld [tilespmem:s12+$0x0]  }
0xc9: {  	s24 =	sor.u32 $0xA030, s8;
	s6 =	sor.u32 $0xA040, s8;
	s1 =	sor.u32 $0xA050, s8;
	v3 =	vld [tilespmem:s8+$0x0]  }
0xca: {  	s3 =	sor.u32 $0xA060, s8;
	v4 =	vld [tilespmem:s8+$0x10]  }
0xcb: {  	v5 =	vld [tilespmem:s8+$0x20]  }
0xcc: {  	v6 =	vld [tilespmem:s8+$0x30]  }
0xcd: {  	[tilespmem:s12+$0xA000] =	vst.add.f32.msk $0xffff, v0  }
0xce: {  	v2 =	vld [tilespmem:s8+$0x40]  }
0xcf: {  	v1 =	vld [tilespmem:s8+$0x50]  }
.Ltmp3:
0xd0: {  	v0 =	vld [tilespmem:s8+$0x60];
	(pc) =	sbr.rel @p0 .LBB2_9-.Ltmp3, $4  }
0xd1: {  	[tilespmem:s13+$0x0] =	vst.add.f32.msk $0xffff, v3  }
0xd2: {  	[tilespmem:s21+$0x0] =	vst.add.f32.msk $0xffff, v4  }
0xd3: {  	[tilespmem:s22+$0x0] =	vst.add.f32.msk $0xffff, v5  }
0xd4: {  	s7 =	sadd.s32 $0x400, s7;
	[tilespmem:s24+$0x0] =	vst.add.f32.msk $0xffff, v6  }
0xd5: {  	[tilespmem:s6+$0x0] =	vst.add.f32.msk $0xffff, v2  }
0xd6: {  	[tilespmem:s1+$0x0] =	vst.add.f32.msk $0xffff, v1  }
0xd7: {  	[tilespmem:s3+$0x0] =	vst.add.f32.msk $0xffff, v0;
	s0 =	sadd.s32 s31, s23;
	s31 =	simm.s32 $0xA000;
	p0 =	seq.s32 @!p1 s28, $0x7  }
0xd8: {  	[hbm4b:s0+s5] =	stream.linear.scatter [tilespmem:s31], [sflag:$0xE], $0x2000, $0x38;
	[tilespmem:$0x14000] =	vst v63  }
0xd9: {  	s0 =	simm.s32 @!p1 $0x12;
	p2 =	por p1, !p0  }
.Ltmp4:
0xda: {  	_ =	swait.ge @!p1 [sflag:s0], $0x2000;
	(pc) =	sbr.rel @!p2 .LBB2_12-.Ltmp4, $4  }
0xdb: {  	s1 =	simm.s32 @!p1 $0x0;
	[sflag:s0] =	ssyncset.done @!p1 $0x0  }
0xdc: {  	[sflag:s0] =	ssyncadd.s32 @!p1 $0xFFFFE000;
	s0 =	sadd.s32 @!p1 s2, s14;
	s2 =	simm.s32 @!p1 $0x12000  }
0xdd: {  	[tilespmem:s2], [sflag:$0xA] =	stream.linear.gather @!p1 [hbm4b:s0+s1], $0x2000, $0x38;
	[tilespmem:$0x14000] =	vst v63  }
0xde: {  	p0 =	por @!p1 $0x1, $0x1;
	s2 =	sadd.s32 @!p1 $0x2, s29  }
0xdf: {  	s2 =	simm.s32 @p1 $0x2  }
0xe0: {  	s0 =	sadd.s32 s20, s2  }
0xe1: {  	s0 =	sshll.u32 s0, $0xA  }
0xe2: {  	s1 =	rddreg [dreg:$0x1];
	s0 =	sand.u32 $0x1FFFF800, s0  }
0xe3: {  	p0 =	por $0x0, $0x0;
	s0 =	sadd.s32 s1, s0  }
0xe4: {  	[tilespmem:s5], [sflag:$0x1] =	stream.linear.gather [hbm4b:s0+s5], $0x2000, $0x38;
	[tilespmem:$0x14000] =	vst v63  }
.LBB2_12:
0xe5: {  	_ =	swait.ge [sflag:s17], $0x2000  }
0xe6: {  	[sflag:s17] =	ssyncset.done $0x0  }
0xe7: {  	s0 =	simm.s32 $0x0;
	[sflag:s17] =	ssyncadd.s32 $0xFFFFE000  }
0xe8: {  	s1 =	sand.u32 $0x1C00, s0;
	_ =	swait.ge [sflag:s18], $0x2000  }
0xe9: {  	s3 =	sor.u32 s1, s0;
	[sflag:s18] =	ssyncset.done $0x0  }
0xea: {  	s6 =	sand.u32 $0x380, s0;
	s3 =	sor.u32 $0x70, s3;
	[sflag:s18] =	ssyncadd.s32 $0xFFFFE000  }
0xeb: {  	s6 =	sor.u32 s6, s1;
	v0 =	vld [tilespmem:s3+$0x2000]  }
0xec: {  	v3 =	vld [tilespmem:s6+$0x2000]  }
0xed: {  	v4 =	vld [tilespmem:s6+$0x2010]  }
0xee: {  	v5 =	vld [tilespmem:s6+$0x2020]  }
0xef: {  	v6 =	vld [tilespmem:s6+$0x2030]  }
0xf0: {  	v2 =	vld [tilespmem:s6+$0x2040]  }
0xf1: {  	v1 =	vld [tilespmem:s6+$0x2050]  }
0xf2: {  	[tilespmem:s3+$0xC000] =	vst.add.f32.msk $0xffff, v0  }
0xf3: {  	s1 =	sor.u32 $0xC000, s6;
	v0 =	vld [tilespmem:s6+$0x2060]  }
0xf4: {  	s26 =	sor.u32 $0xC010, s6;
	[tilespmem:s1+$0x0] =	vst.add.f32.msk $0xffff, v3  }
0xf5: {  	s7 =	sor.u32 $0xC020, s6;
	[tilespmem:s26+$0x0] =	vst.add.f32.msk $0xffff, v4  }
0xf6: {  	s8 =	sor.u32 $0xC030, s6;
	s31 =	sor.u32 $0xC060, s6;
	s26 =	simm.s32 $0x0;
	[tilespmem:s7+$0x0] =	vst.add.f32.msk $0xffff, v5  }
0xf7: {  	s1 =	sor.u32 $0xC040, s6;
	s3 =	sor.u32 $0xC050, s6;
	[tilespmem:s8+$0x0] =	vst.add.f32.msk $0xffff, v6;
	s7 =	simm.s32 $0x400  }
.LBB2_13:
0xf8: {  	s6 =	sand.u32 $0x1C00, s7;
	s26 =	sadd.s32 $0x8, s26;
	[tilespmem:s1+$0x0] =	vst.add.f32.msk $0xffff, v2;
	s0 =	sadd.s32 $0x10, s0  }
0xf9: {  	s1 =	sand.u32 $0x380, s0;
	s8 =	sor.u32 s6, s0;
	p1 =	slt.u32 s26, $0x1F8;
	[tilespmem:s3+$0x0] =	vst.add.f32.msk $0xffff, v1  }
0xfa: {  	s6 =	sor.u32 s1, s6;
	s8 =	sor.u32 $0x70, s8;
	[tilespmem:s31+$0x0] =	vst.add.f32.msk $0xffff, v0  }
0xfb: {  	s12 =	sor.u32 $0xC000, s6;
	s13 =	sor.u32 $0xC010, s6;
	s21 =	sor.u32 $0xC020, s6;
	v0 =	vld [tilespmem:s8+$0x2000]  }
0xfc: {  	s22 =	sor.u32 $0xC030, s6;
	s1 =	sor.u32 $0xC040, s6;
	s3 =	sor.u32 $0xC050, s6;
	v3 =	vld [tilespmem:s6+$0x2000]  }
0xfd: {  	s31 =	sor.u32 $0xC060, s6;
	v4 =	vld [tilespmem:s6+$0x2010]  }
0xfe: {  	v5 =	vld [tilespmem:s6+$0x2020]  }
0xff: {  	v6 =	vld [tilespmem:s6+$0x2030]  }
0x100: {  	[tilespmem:s8+$0xC000] =	vst.add.f32.msk $0xffff, v0  }
0x101: {  	v2 =	vld [tilespmem:s6+$0x2040]  }
0x102: {  	v1 =	vld [tilespmem:s6+$0x2050]  }
.Ltmp5:
0x103: {  	v0 =	vld [tilespmem:s6+$0x2060];
	(pc) =	sbr.rel @p1 .LBB2_13-.Ltmp5, $4  }
0x104: {  	[tilespmem:s12+$0x0] =	vst.add.f32.msk $0xffff, v3  }
0x105: {  	[tilespmem:s13+$0x0] =	vst.add.f32.msk $0xffff, v4  }
0x106: {  	[tilespmem:s21+$0x0] =	vst.add.f32.msk $0xffff, v5  }
0x107: {  	s7 =	sadd.s32 $0x400, s7;
	[tilespmem:s22+$0x0] =	vst.add.f32.msk $0xffff, v6  }
0x108: {  	[tilespmem:s1+$0x0] =	vst.add.f32.msk $0xffff, v2;
	s0 =	sor.u32 s20, s30  }
0x109: {  	[tilespmem:s3+$0x0] =	vst.add.f32.msk $0xffff, v1;
	s30 =	sshll.u32 s0, $0xA  }
0x10a: {  	[tilespmem:s31+$0x0] =	vst.add.f32.msk $0xffff, v0;
	s12 =	simm.s32 $0xC000;
	s0 =	sadd.s32 s4, s30  }
0x10b: {  	[hbm4b:s0+s5] =	stream.linear.scatter [tilespmem:s12], [sflag:$0xF], $0x2000, $0x38;
	[tilespmem:$0x14000] =	vst v63  }
0x10c: {  	s0 =	simm.s32 @!p0 $0xB  }
0x10d: {  	_ =	swait.ge @!p0 [sflag:s0], $0x2000  }
0x10e: {  	s1 =	sadd.s32 @!p0 s20, s2;
	[sflag:s0] =	ssyncset.done @!p0 $0x0  }
0x10f: {  	s31 =	sshll.u32 @!p0 s1, $0xA;
	[sflag:s0] =	ssyncadd.s32 @!p0 $0xFFFFE000  }
0x110: {  	s0 =	sand.u32 @!p0 $0x1FFFF800, s31;
	s1 =	rddreg [dreg:$0x0]  }
0x111: {  	s2 =	simm.s32 @!p0 $0x4000;
	s0 =	sadd.s32 @!p0 s1, s0;
	s1 =	simm.s32 @!p0 $0x0  }
0x112: {  	[tilespmem:s2], [sflag:$0x3] =	stream.linear.gather @!p0 [hbm4b:s0+s1], $0x2000, $0x38;
	[tilespmem:$0x14000] =	vst v63  }
0x113: {  	s0 =	simm.s32 $0x0  }
0x114: {  	_ =	swait.ge [sflag:s19], $0x2000;
	s13 =	sand.u32 $0x1C00, s0  }
0x115: {  	[sflag:s19] =	ssyncset.done $0x0;
	s21 =	sor.u32 s13, s0  }
0x116: {  	s22 =	sand.u32 $0x380, s0;
	[sflag:s19] =	ssyncadd.s32 $0xFFFFE000;
	s2 =	sor.u32 $0x70, s21  }
0x117: {  	s6 =	sor.u32 s22, s13;
	v0 =	vld [tilespmem:s2+$0x2000]  }
0x118: {  	v3 =	vld [tilespmem:s6+$0x2000]  }
0x119: {  	v4 =	vld [tilespmem:s6+$0x2010]  }
0x11a: {  	v5 =	vld [tilespmem:s6+$0x2020]  }
0x11b: {  	v6 =	vld [tilespmem:s6+$0x2030]  }
0x11c: {  	v2 =	vld [tilespmem:s6+$0x2040]  }
0x11d: {  	v1 =	vld [tilespmem:s6+$0x2050]  }
0x11e: {  	[tilespmem:s2+$0xE000] =	vst.add.f32.msk $0xffff, v0  }
0x11f: {  	s1 =	sor.u32 $0xE000, s6;
	v0 =	vld [tilespmem:s6+$0x2060]  }
0x120: {  	s24 =	sor.u32 $0xE010, s6;
	[tilespmem:s1+$0x0] =	vst.add.f32.msk $0xffff, v3  }
0x121: {  	s26 =	sor.u32 $0xE020, s6;
	[tilespmem:s24+$0x0] =	vst.add.f32.msk $0xffff, v4  }
0x122: {  	s7 =	sor.u32 $0xE030, s6;
	s3 =	sor.u32 $0xE040, s6;
	s2 =	simm.s32 $0x0;
	[tilespmem:s26+$0x0] =	vst.add.f32.msk $0xffff, v5  }
0x123: {  	s1 =	sor.u32 $0xE050, s6;
	s26 =	sor.u32 $0xE060, s6;
	[tilespmem:s7+$0x0] =	vst.add.f32.msk $0xffff, v6;
	s7 =	simm.s32 $0x400  }
.LBB2_15:
0x124: {  	s6 =	sand.u32 $0x1C00, s7;
	s2 =	sadd.s32 $0x8, s2;
	[tilespmem:s3+$0x0] =	vst.add.f32.msk $0xffff, v2;
	s0 =	sadd.s32 $0x10, s0  }
0x125: {  	s3 =	sand.u32 $0x380, s0;
	s8 =	sor.u32 s6, s0;
	p1 =	slt.u32 s2, $0x1F8;
	[tilespmem:s1+$0x0] =	vst.add.f32.msk $0xffff, v1  }
0x126: {  	s6 =	sor.u32 s3, s6;
	s8 =	sor.u32 $0x70, s8;
	[tilespmem:s26+$0x0] =	vst.add.f32.msk $0xffff, v0  }
0x127: {  	s12 =	sor.u32 $0xE000, s6;
	s13 =	sor.u32 $0xE010, s6;
	s21 =	sor.u32 $0xE020, s6;
	v0 =	vld [tilespmem:s8+$0x2000]  }
0x128: {  	s22 =	sor.u32 $0xE030, s6;
	s3 =	sor.u32 $0xE040, s6;
	s1 =	sor.u32 $0xE050, s6;
	v3 =	vld [tilespmem:s6+$0x2000]  }
0x129: {  	s26 =	sor.u32 $0xE060, s6;
	v4 =	vld [tilespmem:s6+$0x2010]  }
0x12a: {  	v5 =	vld [tilespmem:s6+$0x2020]  }
0x12b: {  	v6 =	vld [tilespmem:s6+$0x2030]  }
0x12c: {  	[tilespmem:s8+$0xE000] =	vst.add.f32.msk $0xffff, v0  }
0x12d: {  	v2 =	vld [tilespmem:s6+$0x2040]  }
0x12e: {  	v1 =	vld [tilespmem:s6+$0x2050]  }
.Ltmp6:
0x12f: {  	v0 =	vld [tilespmem:s6+$0x2060];
	(pc) =	sbr.rel @p1 .LBB2_15-.Ltmp6, $4  }
0x130: {  	[tilespmem:s12+$0x0] =	vst.add.f32.msk $0xffff, v3  }
0x131: {  	[tilespmem:s13+$0x0] =	vst.add.f32.msk $0xffff, v4  }
0x132: {  	[tilespmem:s21+$0x0] =	vst.add.f32.msk $0xffff, v5  }
0x133: {  	s7 =	sadd.s32 $0x400, s7;
	[tilespmem:s22+$0x0] =	vst.add.f32.msk $0xffff, v6  }
0x134: {  	[tilespmem:s3+$0x0] =	vst.add.f32.msk $0xffff, v2  }
0x135: {  	[tilespmem:s1+$0x0] =	vst.add.f32.msk $0xffff, v1;
	s0 =	sor.u32 $0x80000, s30  }
0x136: {  	[tilespmem:s26+$0x0] =	vst.add.f32.msk $0xffff, v0;
	s12 =	simm.s32 $0xE000;
	s0 =	sadd.s32 s4, s0  }
0x137: {  	[hbm4b:s0+s5] =	stream.linear.scatter [tilespmem:s12], [sflag:$0x10], $0x2000, $0x38;
	[tilespmem:$0x14000] =	vst v63  }
0x138: {  	s0 =	simm.s32 @!p0 $0xC  }
0x139: {  	_ =	swait.ge @!p0 [sflag:s0], $0x2000  }
0x13a: {  	s1 =	simm.s32 @!p0 $0x0;
	[sflag:s0] =	ssyncset.done @!p0 $0x0  }
0x13b: {  	s2 =	simm.s32 @!p0 $0x6000;
	[sflag:s0] =	ssyncadd.s32 @!p0 $0xFFFFE000;
	s0 =	sadd.s32 @!p0 s31, s10  }
0x13c: {  	[tilespmem:s2], [sflag:$0x4] =	stream.linear.gather @!p0 [hbm4b:s0+s1], $0x2000, $0x38;
	[tilespmem:$0x14000] =	vst v63  }
0x13d: {  	s0 =	simm.s32 $0x0  }
0x13e: {  	_ =	swait.ge [sflag:s25], $0x2000;
	s13 =	sand.u32 $0x1C00, s0  }
0x13f: {  	[sflag:s25] =	ssyncset.done $0x0;
	s21 =	sor.u32 s13, s0  }
0x140: {  	s22 =	sand.u32 $0x380, s0;
	[sflag:s25] =	ssyncadd.s32 $0xFFFFE000;
	s2 =	sor.u32 $0x70, s21  }
0x141: {  	s6 =	sor.u32 s22, s13;
	v0 =	vld [tilespmem:s2+$0x2000]  }
0x142: {  	v3 =	vld [tilespmem:s6+$0x2000]  }
0x143: {  	v4 =	vld [tilespmem:s6+$0x2010]  }
0x144: {  	v5 =	vld [tilespmem:s6+$0x2020]  }
0x145: {  	v6 =	vld [tilespmem:s6+$0x2030]  }
0x146: {  	v2 =	vld [tilespmem:s6+$0x2040]  }
0x147: {  	v1 =	vld [tilespmem:s6+$0x2050]  }
0x148: {  	[tilespmem:s2+$0x10000] =	vst.add.f32.msk $0xffff, v0  }
0x149: {  	s1 =	sor.u32 $0x10000, s6;
	v0 =	vld [tilespmem:s6+$0x2060]  }
0x14a: {  	s24 =	sor.u32 $0x10010, s6;
	[tilespmem:s1+$0x0] =	vst.add.f32.msk $0xffff, v3  }
0x14b: {  	s26 =	sor.u32 $0x10020, s6;
	[tilespmem:s24+$0x0] =	vst.add.f32.msk $0xffff, v4  }
0x14c: {  	s7 =	sor.u32 $0x10030, s6;
	s3 =	sor.u32 $0x10040, s6;
	s2 =	simm.s32 $0x0;
	[tilespmem:s26+$0x0] =	vst.add.f32.msk $0xffff, v5  }
0x14d: {  	s1 =	sor.u32 $0x10050, s6;
	s26 =	sor.u32 $0x10060, s6;
	[tilespmem:s7+$0x0] =	vst.add.f32.msk $0xffff, v6;
	s7 =	simm.s32 $0x400  }
.LBB2_17:
0x14e: {  	s6 =	sand.u32 $0x1C00, s7;
	s2 =	sadd.s32 $0x8, s2;
	[tilespmem:s3+$0x0] =	vst.add.f32.msk $0xffff, v2;
	s0 =	sadd.s32 $0x10, s0  }
0x14f: {  	s3 =	sand.u32 $0x380, s0;
	s8 =	sor.u32 s6, s0;
	p1 =	slt.u32 s2, $0x1F8;
	[tilespmem:s1+$0x0] =	vst.add.f32.msk $0xffff, v1  }
0x150: {  	s6 =	sor.u32 s3, s6;
	s8 =	sor.u32 $0x70, s8;
	[tilespmem:s26+$0x0] =	vst.add.f32.msk $0xffff, v0  }
0x151: {  	s12 =	sor.u32 $0x10000, s6;
	s13 =	sor.u32 $0x10010, s6;
	s21 =	sor.u32 $0x10020, s6;
	v0 =	vld [tilespmem:s8+$0x2000]  }
0x152: {  	s22 =	sor.u32 $0x10030, s6;
	s3 =	sor.u32 $0x10040, s6;
	s1 =	sor.u32 $0x10050, s6;
	v3 =	vld [tilespmem:s6+$0x2000]  }
0x153: {  	s26 =	sor.u32 $0x10060, s6;
	v4 =	vld [tilespmem:s6+$0x2010]  }
0x154: {  	v5 =	vld [tilespmem:s6+$0x2020]  }
0x155: {  	v6 =	vld [tilespmem:s6+$0x2030]  }
0x156: {  	[tilespmem:s8+$0x10000] =	vst.add.f32.msk $0xffff, v0  }
0x157: {  	v2 =	vld [tilespmem:s6+$0x2040]  }
0x158: {  	v1 =	vld [tilespmem:s6+$0x2050]  }
.Ltmp7:
0x159: {  	v0 =	vld [tilespmem:s6+$0x2060];
	(pc) =	sbr.rel @p1 .LBB2_17-.Ltmp7, $4  }
0x15a: {  	[tilespmem:s12+$0x0] =	vst.add.f32.msk $0xffff, v3  }
0x15b: {  	[tilespmem:s13+$0x0] =	vst.add.f32.msk $0xffff, v4  }
0x15c: {  	[tilespmem:s21+$0x0] =	vst.add.f32.msk $0xffff, v5  }
0x15d: {  	s7 =	sadd.s32 $0x400, s7;
	[tilespmem:s22+$0x0] =	vst.add.f32.msk $0xffff, v6  }
0x15e: {  	[tilespmem:s3+$0x0] =	vst.add.f32.msk $0xffff, v2  }
0x15f: {  	[tilespmem:s1+$0x0] =	vst.add.f32.msk $0xffff, v1;
	s0 =	sor.u32 $0x100000, s30  }
0x160: {  	[tilespmem:s26+$0x0] =	vst.add.f32.msk $0xffff, v0;
	s12 =	simm.s32 $0x10000;
	s0 =	sadd.s32 s4, s0  }
0x161: {  	[hbm4b:s0+s5] =	stream.linear.scatter [tilespmem:s12], [sflag:$0x11], $0x2000, $0x38;
	[tilespmem:$0x14000] =	vst v63  }
0x162: {  	s0 =	simm.s32 @!p0 $0xD  }
0x163: {  	_ =	swait.ge @!p0 [sflag:s0], $0x2000  }
0x164: {  	s1 =	simm.s32 @!p0 $0x0;
	[sflag:s0] =	ssyncset.done @!p0 $0x0  }
0x165: {  	s2 =	simm.s32 @!p0 $0x8000;
	[sflag:s0] =	ssyncadd.s32 @!p0 $0xFFFFE000;
	s0 =	sadd.s32 @!p0 s31, s11  }
0x166: {  	[tilespmem:s2], [sflag:$0x5] =	stream.linear.gather @!p0 [hbm4b:s0+s1], $0x2000, $0x38;
	[tilespmem:$0x14000] =	vst v63  }
0x167: {  	s0 =	simm.s32 $0x0  }
0x168: {  	_ =	swait.ge [sflag:s9], $0x2000;
	s13 =	sand.u32 $0x1C00, s0  }
0x169: {  	[sflag:s9] =	ssyncset.done $0x0;
	s21 =	sor.u32 s13, s0  }
0x16a: {  	s22 =	sand.u32 $0x380, s0;
	[sflag:s9] =	ssyncadd.s32 $0xFFFFE000;
	s2 =	sor.u32 $0x70, s21  }
0x16b: {  	s3 =	sor.u32 s22, s13;
	v0 =	vld [tilespmem:s2+$0x2000]  }
0x16c: {  	v3 =	vld [tilespmem:s3+$0x2000]  }
0x16d: {  	v4 =	vld [tilespmem:s3+$0x2010]  }
0x16e: {  	v5 =	vld [tilespmem:s3+$0x2020]  }
0x16f: {  	v6 =	vld [tilespmem:s3+$0x2030]  }
0x170: {  	v2 =	vld [tilespmem:s3+$0x2040]  }
0x171: {  	v1 =	vld [tilespmem:s3+$0x2050]  }
0x172: {  	[tilespmem:s2+$0x12000] =	vst.add.f32.msk $0xffff, v0  }
0x173: {  	s1 =	sor.u32 $0x12000, s3;
	v0 =	vld [tilespmem:s3+$0x2060]  }
0x174: {  	s24 =	sor.u32 $0x12010, s3;
	[tilespmem:s1+$0x0] =	vst.add.f32.msk $0xffff, v3  }
0x175: {  	s26 =	sor.u32 $0x12020, s3;
	[tilespmem:s24+$0x0] =	vst.add.f32.msk $0xffff, v4  }
0x176: {  	s7 =	sor.u32 $0x12030, s3;
	s6 =	sor.u32 $0x12040, s3;
	s2 =	simm.s32 $0x0;
	[tilespmem:s26+$0x0] =	vst.add.f32.msk $0xffff, v5  }
0x177: {  	s1 =	sor.u32 $0x12050, s3;
	s3 =	sor.u32 $0x12060, s3;
	[tilespmem:s7+$0x0] =	vst.add.f32.msk $0xffff, v6;
	s7 =	simm.s32 $0x400  }
.LBB2_19:
0x178: {  	s8 =	sand.u32 $0x1C00, s7;
	s2 =	sadd.s32 $0x8, s2;
	[tilespmem:s6+$0x0] =	vst.add.f32.msk $0xffff, v2;
	s0 =	sadd.s32 $0x10, s0  }
0x179: {  	s6 =	sand.u32 $0x380, s0;
	s12 =	sor.u32 s8, s0;
	p1 =	slt.u32 s2, $0x1F8;
	[tilespmem:s1+$0x0] =	vst.add.f32.msk $0xffff, v1  }
0x17a: {  	s8 =	sor.u32 s6, s8;
	s12 =	sor.u32 $0x70, s12;
	[tilespmem:s3+$0x0] =	vst.add.f32.msk $0xffff, v0  }
0x17b: {  	s13 =	sor.u32 $0x12000, s8;
	s21 =	sor.u32 $0x12010, s8;
	s22 =	sor.u32 $0x12020, s8;
	v0 =	vld [tilespmem:s12+$0x2000]  }
0x17c: {  	s24 =	sor.u32 $0x12030, s8;
	s6 =	sor.u32 $0x12040, s8;
	s1 =	sor.u32 $0x12050, s8;
	v3 =	vld [tilespmem:s8+$0x2000]  }
0x17d: {  	s3 =	sor.u32 $0x12060, s8;
	v4 =	vld [tilespmem:s8+$0x2010]  }
0x17e: {  	v5 =	vld [tilespmem:s8+$0x2020]  }
0x17f: {  	v6 =	vld [tilespmem:s8+$0x2030]  }
0x180: {  	[tilespmem:s12+$0x12000] =	vst.add.f32.msk $0xffff, v0  }
0x181: {  	v2 =	vld [tilespmem:s8+$0x2040]  }
0x182: {  	v1 =	vld [tilespmem:s8+$0x2050]  }
.Ltmp8:
0x183: {  	v0 =	vld [tilespmem:s8+$0x2060];
	(pc) =	sbr.rel @p1 .LBB2_19-.Ltmp8, $4  }
0x184: {  	[tilespmem:s13+$0x0] =	vst.add.f32.msk $0xffff, v3  }
0x185: {  	[tilespmem:s21+$0x0] =	vst.add.f32.msk $0xffff, v4  }
0x186: {  	[tilespmem:s22+$0x0] =	vst.add.f32.msk $0xffff, v5  }
0x187: {  	s7 =	sadd.s32 $0x400, s7;
	[tilespmem:s24+$0x0] =	vst.add.f32.msk $0xffff, v6  }
0x188: {  	[tilespmem:s6+$0x0] =	vst.add.f32.msk $0xffff, v2  }
0x189: {  	[tilespmem:s1+$0x0] =	vst.add.f32.msk $0xffff, v1  }
0x18a: {  	[tilespmem:s3+$0x0] =	vst.add.f32.msk $0xffff, v0;
	s0 =	sadd.s32 s30, s23;
	s30 =	simm.s32 $0x12000  }
0x18b: {  	[hbm4b:s0+s5] =	stream.linear.scatter [tilespmem:s30], [sflag:$0x12], $0x2000, $0x38;
	[tilespmem:$0x14000] =	vst v63  }
0x18c: {  	s0 =	simm.s32 @!p0 $0xE  }
0x18d: {  	_ =	swait.ge @!p0 [sflag:s0], $0x2000  }
0x18e: {  	s1 =	simm.s32 @!p0 $0x0;
	[sflag:s0] =	ssyncset.done @!p0 $0x0  }
0x18f: {  	s2 =	simm.s32 @!p0 $0xA000;
	[sflag:s0] =	ssyncadd.s32 @!p0 $0xFFFFE000;
	s0 =	sadd.s32 @!p0 s31, s14  }
0x190: {  	[tilespmem:s2], [sflag:$0x6] =	stream.linear.gather @!p0 [hbm4b:s0+s1], $0x2000, $0x38;
	[tilespmem:$0x14000] =	vst v63  }
0x191: {  	s0 =	rddreg [dreg:$0x11]  }
0x192: {  	s0 =	sadd.s32 @!p0 s29, s0  }
0x193: {  	s2 =	rddreg [dreg:$0x1];
	s0 =	sshll.u32 @!p0 s0, $0xA  }
0x194: {  	s28 =	sadd.s32 $0x1, s28;
	s0 =	sadd.s32 @!p0 s2, s0;
	s2 =	simm.s32 @!p0 $0x2000  }
0x195: {  	[tilespmem:s2], [sflag:$0x2] =	stream.linear.gather @!p0 [hbm4b:s0+s1], $0x2000, $0x38;
	[tilespmem:$0x14000] =	vst v63  }
0x196: {  	p0 =	sne.s32 s28, $0x8  }
.Ltmp9:
0x197: {  	_ = 	snop;
	(pc) =	sbr.rel @p0 .LBB2_2-.Ltmp9, $1  }
0x198: {  	_ =	sdelay $0x3  }
0x199: {  	s0 =	simm.s32 $0xB  }
0x19a: {  	_ =	swait.ge [sflag:s0], $0x2000  }
0x19b: {  	[sflag:s0] =	ssyncset.done $0x0  }
0x19c: {  	s22 =	simm.s32 $0xF;
	[sflag:s0] =	ssyncadd.s32 $0xFFFFE000  }
0x19d: {  	_ =	swait.ge [sflag:s22], $0x2000  }
0x19e: {  	[sflag:s22] =	ssyncset.done $0x0  }
0x19f: {  	s24 =	simm.s32 $0xC;
	[sflag:s22] =	ssyncadd.s32 $0xFFFFE000  }
0x1a0: {  	_ =	swait.ge [sflag:s24], $0x2000  }
0x1a1: {  	[sflag:s24] =	ssyncset.done $0x0  }
0x1a2: {  	s26 =	simm.s32 $0x10;
	[sflag:s24] =	ssyncadd.s32 $0xFFFFE000  }
0x1a3: {  	_ =	swait.ge [sflag:s26], $0x2000  }
0x1a4: {  	[sflag:s26] =	ssyncset.done $0x0  }
0x1a5: {  	s28 =	simm.s32 $0xD;
	[sflag:s26] =	ssyncadd.s32 $0xFFFFE000  }
0x1a6: {  	_ =	swait.ge [sflag:s28], $0x2000  }
0x1a7: {  	[sflag:s28] =	ssyncset.done $0x0  }
0x1a8: {  	s29 =	simm.s32 $0x11;
	[sflag:s28] =	ssyncadd.s32 $0xFFFFE000  }
0x1a9: {  	_ =	swait.ge [sflag:s29], $0x2000  }
0x1aa: {  	[sflag:s29] =	ssyncset.done $0x0  }
0x1ab: {  	s30 =	simm.s32 $0xE;
	[sflag:s29] =	ssyncadd.s32 $0xFFFFE000  }
0x1ac: {  	_ =	swait.ge [sflag:s30], $0x2000  }
0x1ad: {  	[sflag:s30] =	ssyncset.done $0x0  }
0x1ae: {  	s1 =	simm.s32 $0x12;
	[sflag:s30] =	ssyncadd.s32 $0xFFFFE000  }
0x1af: {  	_ =	swait.ge [sflag:s1], $0x2000  }
0x1b0: {  	s2 =	rddreg [dreg:$0x13]  }
0x1b1: {  	s31 =	rddreg [dreg:$0x12];
	s2 =	sadd.s32 $0x1, s2  }
0x1b2: {  	p0 =	sne.s32 s2, s31  }
.Ltmp10:
0x1b3: {  	_ = 	snop;
	(pc) =	sbr.rel @p0 .LBB2_1-.Ltmp10, $3  }
0x1b4: {  	_ =	sdelay $0x1  }
0x1b5: {  	[sflag:s1] =	ssyncset.done $0x0  }
0x1b6: {  	[sflag:s1] =	ssyncadd.s32 $0xFFFFE000  }
0x1b7: {  	_ =	sfence.sel $0x180000  }
0x1b8: {  	[bflag:$0x0] =	sbarrier.arrive $0xFFFF  }
0x1b9: {  	_ =	strace $0x90000047  }
0x1ba: {  	s0 =	stileid.u32;
	[bflag:$0x2] =	sbarrier.arrive $0xFFFF  }
0x1bb: {  	p0 =	sne.s32 s0, $0x0;
	s0 =	rddreg [dreg:$0x3]  }
0x1bc: {  	s0 =	sadd.s32 @!p0 $0x100000, s0  }
0x1bd: {  	[sflag:s0] =	ssyncadd.tile.s32 @!p0 $0x1;
	_ =	shalt  }
.Lfunc_end2:
_tile_overlayer_lowered:
.L_overlay_start_2:
0x1be: {  	(tag) =	ssettag $0x2  }
0x1bf: {  	s0 =	rddreg [dreg:$0x0];
	s2 =	stileid.u32  }
0x1c0: {  	s1 =	rddreg [dreg:$0x1];
	p0 =	sne.s32 s2, $0x0  }
0x1c1: {  	s3 =	rddreg [dreg:$0x2];
	[bflag:$0x3] =	sbarrier.arrive $0xFFFF;
	s2 =	simm.s32 @!p0 $0x1C13  }
0x1c2: {  	[timem:s3], [sflag:s2] =	dma.local @!p0 [hbm:s0], s1  }
0x1c3: {  	s0 =	simm.s32 @!p0 $0x13  }
0x1c4: {  	_ =	swait.ge @!p0 [sflag:s0], s1  }
0x1c5: {  	s1 =	ssub.s32 @!p0 $0x0, s1;
	[sflag:s0] =	ssyncset.done @!p0 $0x0  }
0x1c6: {  	[sflag:s0] =	ssyncadd.s32 @!p0 s1  }
0x1c7: {  	[bflag:$0x3] =	sbarrier.arrive $0xFFFF  }
0x1c8: {  	_ =	shalt  }

</sc_bundles>
